<compile_context>
chip_gen: v7x
topology: tpu7x:2x2x1
jax: 0.10.2.dev20260603
libtpu: 0.0.44.dev20260713+nightly
codegen_flags: <defaults>
</compile_context>

<pallas_src>
import functools

import jax
import jax.numpy as jnp
from jax import lax
from jax.experimental import pallas as pl
from jax.experimental.pallas import tpu as pltpu
from jax.experimental.pallas import tpu_sc as plsc

_P_MAX = 4.1
_P_MIN = 0.0
_N = 64
_M = 256
_S = 512
_NPIV = _N - 2

_L = 16
_NC, _NS = 2, 16
_NW = _NC * _NS
_MB = _M // _NW
_NPIV_PAD = 64

_mesh = plsc.VectorSubcoreMesh(core_axis_name="c", subcore_axis_name="s")


@functools.partial(
    pl.kernel,
    mesh=_mesh,
    compiler_params=pltpu.CompilerParams(needs_layout_passes=False),
    out_type=jax.ShapeDtypeStruct((_M, _S), jnp.float32),
    scratch_types=[
        pltpu.VMEM((_L,), jnp.float32),
        pltpu.VMEM((_NPIV_PAD,), jnp.float32),
        pltpu.VMEM((_MB, _S), jnp.float32),
        pltpu.VMEM((_MB, _S), jnp.float32),
        pltpu.SemaphoreType.DMA,
        pltpu.SemaphoreType.DMA,
    ],
)
def _pw_kernel(lam_hbm, piv_hbm, alphas_hbm, out_hbm,
               lam_v, piv_v, left_v, right_v, sem_l, sem_r):
    wid = lax.axis_index("s") * _NC + lax.axis_index("c")
    m0 = wid * _MB

    piv_v[pl.ds(_NPIV_PAD - _L, _L)] = jnp.full((_L,), jnp.float32(_P_MAX))
    copy_lam = pltpu.async_copy(lam_hbm, lam_v.at[pl.ds(0, 1)], sem_l)
    copy_piv = pltpu.async_copy(piv_hbm, piv_v.at[pl.ds(0, _NPIV)], sem_r)
    copy_lam.wait()
    copy_piv.wait()

    lam_s = lam_v[...][0]
    lam = jnp.full((_L,), lam_s)
    acc = jnp.zeros((_L,), jnp.int32)
    lmax = jnp.full((_L,), jnp.float32(_P_MIN))
    rmin = jnp.full((_L,), jnp.float32(_P_MAX))
    for j in range(_NPIV_PAD // _L):
        pv = piv_v[pl.ds(j * _L, _L)]
        le = pv <= lam
        acc = acc + jnp.where(le, jnp.int32(1), jnp.int32(0))
        lmax = jnp.maximum(lmax, jnp.where(le, pv, jnp.float32(_P_MIN)))
        rmin = jnp.minimum(rmin, jnp.where(le, jnp.float32(_P_MAX), pv))
    cnt = jnp.sum(acc)

    copy_l = pltpu.async_copy(
        alphas_hbm.at[cnt, pl.ds(m0, _MB), :], left_v, sem_l)
    copy_r = pltpu.async_copy(
        alphas_hbm.at[cnt + 1, pl.ds(m0, _MB), :], right_v, sem_r)

    lp = jnp.max(lmax)
    rp = jnp.min(rmin)
    kl = jnp.full((_L,), lam_s - lp) / jnp.full((_L,), rp - lp)
    kr = jnp.float32(1.0) - kl

    copy_l.wait()
    copy_r.wait()

    @plsc.parallel_loop(0, _S // _L, 1, unroll=4)
    def _(c):
        off = c * _L
        for r in range(_MB):
            left_v[r, pl.ds(off, _L)] = (kl * left_v[r, pl.ds(off, _L)]
                                         + kr * right_v[r, pl.ds(off, _L)])

    pltpu.sync_copy(left_v, out_hbm.at[pl.ds(m0, _MB), :])


def kernel(lam, alphas, pivots):
    return _pw_kernel(lam.reshape(1), pivots, alphas)

# --- scband reference (transcript-rebuilt; emitter-appended) ---
"""Pipeline reference for scband-pwlinear-42777874268587 (READ-ONLY COPY).

The authoritative reference and input builder live on the scoring server;
editing this copy changes nothing except your own understanding.
"""

import jax, jax.numpy as jnp
import numpy as np

P_MAX = 4.1
P_MIN = 0.0
N = 64          # number of piecewise-linear alpha sets (len(self.alphas) == N)
M = 256         # number of nas modules
S = 512         # alpha vector size per module


def setup_inputs(seed: int = 0) -> dict:
    key = jax.random.key(seed)
    k1, k2 = jax.random.split(key)
    # lam: scalar in [0, 1) (valid since pivots span [1/N, P_MAX - 1/N])
    lam = jax.random.uniform(k1, (), dtype=jnp.float32)
    # All Alpha() parameter sets stacked: alphas[i] corresponds to self.alphas[i],
    # each Alpha holds M parameter vectors of size S (torch.randn init).
    alphas = jax.random.normal(k2, (N, M, S), dtype=jnp.float32)
    # self.pivots = nn.Parameter(linspace(P_MIN + 1/N, P_MAX - 1/N, N - 2))
    pivots = jnp.linspace(P_MIN + 1.0 / N, P_MAX - 1.0 / N, N - 2, dtype=jnp.float32)
    return {"lam": lam, "alphas": alphas, "pivots": pivots}


def reference(lam, alphas, pivots):
    # right_index = torch.searchsorted(pivots, lam, side='right')
    right_index = jnp.searchsorted(pivots, lam, side='right')
    left_index = right_index - 1
    n_piv = N - 2
    # left_pivot = P_MIN if left_index <= -1 else pivots[left_index]
    left_pivot = jnp.where(left_index < 0, jnp.float32(P_MIN),
                           pivots[jnp.clip(left_index, 0, n_piv - 1)])
    # right_pivot = P_MAX if right_index >= N - 2 else pivots[right_index]
    right_pivot = jnp.where(right_index >= n_piv, jnp.float32(P_MAX),
                            pivots[jnp.clip(right_index, 0, n_piv - 1)])
    # left = self.alphas[left_index + 1](); right = self.alphas[right_index + 1]()
    left = alphas[left_index + 1]    # (M, S)
    right = alphas[right_index + 1]  # (M, S)
    # k_left = (lam - left_pivot) / (right_pivot - left_pivot); k_right = 1 - k_left
    # (torch.tensor(...) detaches these coefficients; math is identical in fwd)
    k_left = (lam - left_pivot) / (right_pivot - left_pivot)
    k_right = 1.0 - k_left
    # ret[name] = k_left * left[name] + k_right * right[name]  (stacked over modules)
    out = k_left * left + k_right * right  # (M, S)
    return out

if __name__ == "__main__":
    import jax
    _d = setup_inputs()
    print(jax.jit(kernel)(*tuple(_d.values())))

</pallas_src>

<mosaic_0001>
#map = affine_map<(d0, d1) -> (0)>
#map1 = affine_map<(d0, d1) -> (0, 0, 0)>
#map2 = affine_map<(d0, d1) -> (0, 0)>
module attributes {stable_mosaic.version = 14 : i64} {
  func.func @_pw_kernel(%arg0: i32, %arg1: i32, %arg2: memref<1xf32, #tpu.memory_space<hbm>>, %arg3: memref<62xf32, #tpu.memory_space<hbm>>, %arg4: memref<64x256x512xf32, #tpu.memory_space<hbm>>, %arg5: memref<256x512xf32, #tpu.memory_space<hbm>>, %arg6: memref<16xf32, #tpu.memory_space<vmem>>, %arg7: memref<64xf32, #tpu.memory_space<vmem>>, %arg8: memref<8x512xf32, #tpu.memory_space<vmem>>, %arg9: memref<8x512xf32, #tpu.memory_space<vmem>>, %arg10: memref<!tpu.dma_semaphore, #tpu.memory_space<semaphore_mem>>, %arg11: memref<!tpu.dma_semaphore, #tpu.memory_space<semaphore_mem>>) attributes {dimension_semantics = [#tpu.dimension_semantics<core_parallel>, #tpu.dimension_semantics<subcore_parallel>], iteration_bounds = array<i64: 2, 16>, scalar_prefetch = 0 : i64, scratch_operands = 6 : i64, tpu.core_type = #tpu.core_type<sc_vector_subcore>, window_params = [{transform_indices = #map}, {transform_indices = #map}, {transform_indices = #map1}, {transform_indices = #map2}]} {
    %mul3A = arith.constant 2 : i32
    %mul3A_0 = arith.muli %arg1, %mul3A : i32
    %add3A = arith.addi %mul3A_0, %arg0 : i32
    %mul3A_1 = arith.constant 8 : i32
    %mul3A_2 = arith.muli %add3A, %mul3A_1 : i32
    %broadcast_in_dim3A = arith.constant 4.100000e+00 : f32
    %broadcast_in_dim3A_3 = vector.broadcast %broadcast_in_dim3A : f32 to vector<16xf32>
    %swap3A = arith.constant 48 : index
    %swap3A_4 = tpu.vector_load %arg7[%swap3A] {strides = array<i32>} : memref<64xf32, #tpu.memory_space<vmem>>, vector<16xf32>,
    tpu.vector_store %arg7[%swap3A], %broadcast_in_dim3A_3 {strides = array<i32>} : memref<64xf32, #tpu.memory_space<vmem>>, vector<16xf32>,
    %dma_start3A = arith.constant 0 : i32
    %dma_start3A_5 = tpu.memref_slice %arg6[%dma_start3A] : memref<16xf32, #tpu.memory_space<vmem>> -> memref<1xf32, #tpu.memory_space<vmem>>
    %dma_start3A_6 = arith.constant 0 : i32
    %dma_start3A_7 = tpu.memref_slice %arg6[%dma_start3A_6] : memref<16xf32, #tpu.memory_space<vmem>> -> memref<1xf32, #tpu.memory_space<vmem>>
    tpu.enqueue_dma source(%arg2 : memref<1xf32, #tpu.memory_space<hbm>>) target(%dma_start3A_7 : memref<1xf32, #tpu.memory_space<vmem>>) target_semaphore(%arg10 : memref<!tpu.dma_semaphore, #tpu.memory_space<semaphore_mem>>)
    %dma_start3A_8 = arith.constant 0 : i32
    %dma_start3A_9 = tpu.memref_slice %arg7[%dma_start3A_8] : memref<64xf32, #tpu.memory_space<vmem>> -> memref<62xf32, #tpu.memory_space<vmem>>
    %dma_start3A_10 = arith.constant 0 : i32
    %dma_start3A_11 = tpu.memref_slice %arg7[%dma_start3A_10] : memref<64xf32, #tpu.memory_space<vmem>> -> memref<62xf32, #tpu.memory_space<vmem>>
    tpu.enqueue_dma source(%arg3 : memref<62xf32, #tpu.memory_space<hbm>>) target(%dma_start3A_11 : memref<62xf32, #tpu.memory_space<vmem>>) target_semaphore(%arg11 : memref<!tpu.dma_semaphore, #tpu.memory_space<semaphore_mem>>)
    %dma_wait3A = arith.constant 0 : i32
    %dma_wait3A_12 = tpu.memref_slice %arg6[%dma_wait3A] : memref<16xf32, #tpu.memory_space<vmem>> -> memref<1xf32, #tpu.memory_space<vmem>>
    %dma_wait3A_13 = arith.constant 0 : i32
    %dma_wait3A_14 = tpu.memref_slice %arg6[%dma_wait3A_13] : memref<16xf32, #tpu.memory_space<vmem>> -> memref<1xf32, #tpu.memory_space<vmem>>
    tpu.wait_dma2 semaphore(%arg10 : memref<!tpu.dma_semaphore, #tpu.memory_space<semaphore_mem>>) src(%arg2 : memref<1xf32, #tpu.memory_space<hbm>>) dst(%dma_wait3A_14 : memref<1xf32, #tpu.memory_space<vmem>>)
    %dma_wait3A_15 = arith.constant 0 : i32
    %dma_wait3A_16 = tpu.memref_slice %arg7[%dma_wait3A_15] : memref<64xf32, #tpu.memory_space<vmem>> -> memref<62xf32, #tpu.memory_space<vmem>>
    %dma_wait3A_17 = arith.constant 0 : i32
    %dma_wait3A_18 = tpu.memref_slice %arg7[%dma_wait3A_17] : memref<64xf32, #tpu.memory_space<vmem>> -> memref<62xf32, #tpu.memory_space<vmem>>
    tpu.wait_dma2 semaphore(%arg11 : memref<!tpu.dma_semaphore, #tpu.memory_space<semaphore_mem>>) src(%arg3 : memref<62xf32, #tpu.memory_space<hbm>>) dst(%dma_wait3A_18 : memref<62xf32, #tpu.memory_space<vmem>>)
    %get3A = arith.constant 0 : index
    %get3A_19 = tpu.vector_load %arg6[%get3A] {strides = array<i32>} : memref<16xf32, #tpu.memory_space<vmem>>, vector<16xf32>,
    %slice3A = vector.extract_strided_slice %get3A_19 {offsets = [0], sizes = [1], strides = [1]} : vector<16xf32> to vector<1xf32>
    %squeeze3A = vector.extract %slice3A[0] : f32 from vector<1xf32>
    %broadcast_in_dim3A_20 = vector.broadcast %squeeze3A : f32 to vector<16xf32>
    %broadcast_in_dim3A_21 = arith.constant 0 : i32
    %broadcast_in_dim3A_22 = vector.broadcast %broadcast_in_dim3A_21 : i32 to vector<16xi32>
    %broadcast_in_dim3A_23 = arith.constant 0.000000e+00 : f32
    %broadcast_in_dim3A_24 = vector.broadcast %broadcast_in_dim3A_23 : f32 to vector<16xf32>
    %broadcast_in_dim3A_25 = arith.constant 4.100000e+00 : f32
    %broadcast_in_dim3A_26 = vector.broadcast %broadcast_in_dim3A_25 : f32 to vector<16xf32>
    %get3A_27 = arith.constant 0 : index
    %get3A_28 = tpu.vector_load %arg7[%get3A_27] {strides = array<i32>} : memref<64xf32, #tpu.memory_space<vmem>>, vector<16xf32>,
    %le3A = arith.cmpf ole, %get3A_28, %broadcast_in_dim3A_20 : vector<16xf32>
    %jit3A = arith.constant 1 : i32
    %jit3A_29 = arith.constant 0 : i32
    %broadcast_in_dim3A_30 = vector.broadcast %jit3A : i32 to vector<16xi32>
    %broadcast_in_dim3A_31 = vector.broadcast %jit3A_29 : i32 to vector<16xi32>
    %select_n3A = arith.select %le3A, %broadcast_in_dim3A_30, %broadcast_in_dim3A_31 : vector<16xi1>, vector<16xi32>
    %add3A_32 = arith.addi %broadcast_in_dim3A_22, %select_n3A : vector<16xi32>
    %jit3A_33 = arith.constant 0.000000e+00 : f32
    %broadcast_in_dim3A_34 = vector.broadcast %jit3A_33 : f32 to vector<16xf32>
    %select_n3A_35 = arith.select %le3A, %get3A_28, %broadcast_in_dim3A_34 : vector<16xi1>, vector<16xf32>
    %max3A = arith.maximumf %broadcast_in_dim3A_24, %select_n3A_35 : vector<16xf32>
    %jit3A_36 = arith.constant 4.100000e+00 : f32
    %broadcast_in_dim3A_37 = vector.broadcast %jit3A_36 : f32 to vector<16xf32>
    %select_n3A_38 = arith.select %le3A, %broadcast_in_dim3A_37, %get3A_28 : vector<16xi1>, vector<16xf32>
    %min3A = arith.minimumf %broadcast_in_dim3A_26, %select_n3A_38 : vector<16xf32>
    %get3A_39 = arith.constant 16 : index
    %get3A_40 = tpu.vector_load %arg7[%get3A_39] {strides = array<i32>} : memref<64xf32, #tpu.memory_space<vmem>>, vector<16xf32>,
    %le3A_41 = arith.cmpf ole, %get3A_40, %broadcast_in_dim3A_20 : vector<16xf32>
    %jit3A_42 = arith.constant 1 : i32
    %jit3A_43 = arith.constant 0 : i32
    %broadcast_in_dim3A_44 = vector.broadcast %jit3A_42 : i32 to vector<16xi32>
    %broadcast_in_dim3A_45 = vector.broadcast %jit3A_43 : i32 to vector<16xi32>
    %select_n3A_46 = arith.select %le3A_41, %broadcast_in_dim3A_44, %broadcast_in_dim3A_45 : vector<16xi1>, vector<16xi32>
    %add3A_47 = arith.addi %add3A_32, %select_n3A_46 : vector<16xi32>
    %jit3A_48 = arith.constant 0.000000e+00 : f32
    %broadcast_in_dim3A_49 = vector.broadcast %jit3A_48 : f32 to vector<16xf32>
    %select_n3A_50 = arith.select %le3A_41, %get3A_40, %broadcast_in_dim3A_49 : vector<16xi1>, vector<16xf32>
    %max3A_51 = arith.maximumf %max3A, %select_n3A_50 : vector<16xf32>
    %jit3A_52 = arith.constant 4.100000e+00 : f32
    %broadcast_in_dim3A_53 = vector.broadcast %jit3A_52 : f32 to vector<16xf32>
    %select_n3A_54 = arith.select %le3A_41, %broadcast_in_dim3A_53, %get3A_40 : vector<16xi1>, vector<16xf32>
    %min3A_55 = arith.minimumf %min3A, %select_n3A_54 : vector<16xf32>
    %get3A_56 = arith.constant 32 : index
    %get3A_57 = tpu.vector_load %arg7[%get3A_56] {strides = array<i32>} : memref<64xf32, #tpu.memory_space<vmem>>, vector<16xf32>,
    %le3A_58 = arith.cmpf ole, %get3A_57, %broadcast_in_dim3A_20 : vector<16xf32>
    %jit3A_59 = arith.constant 1 : i32
    %jit3A_60 = arith.constant 0 : i32
    %broadcast_in_dim3A_61 = vector.broadcast %jit3A_59 : i32 to vector<16xi32>
    %broadcast_in_dim3A_62 = vector.broadcast %jit3A_60 : i32 to vector<16xi32>
    %select_n3A_63 = arith.select %le3A_58, %broadcast_in_dim3A_61, %broadcast_in_dim3A_62 : vector<16xi1>, vector<16xi32>
    %add3A_64 = arith.addi %add3A_47, %select_n3A_63 : vector<16xi32>
    %jit3A_65 = arith.constant 0.000000e+00 : f32
    %broadcast_in_dim3A_66 = vector.broadcast %jit3A_65 : f32 to vector<16xf32>
    %select_n3A_67 = arith.select %le3A_58, %get3A_57, %broadcast_in_dim3A_66 : vector<16xi1>, vector<16xf32>
    %max3A_68 = arith.maximumf %max3A_51, %select_n3A_67 : vector<16xf32>
    %jit3A_69 = arith.constant 4.100000e+00 : f32
    %broadcast_in_dim3A_70 = vector.broadcast %jit3A_69 : f32 to vector<16xf32>
    %select_n3A_71 = arith.select %le3A_58, %broadcast_in_dim3A_70, %get3A_57 : vector<16xi1>, vector<16xf32>
    %min3A_72 = arith.minimumf %min3A_55, %select_n3A_71 : vector<16xf32>
    %get3A_73 = arith.constant 48 : index
    %get3A_74 = tpu.vector_load %arg7[%get3A_73] {strides = array<i32>} : memref<64xf32, #tpu.memory_space<vmem>>, vector<16xf32>,
    %le3A_75 = arith.cmpf ole, %get3A_74, %broadcast_in_dim3A_20 : vector<16xf32>
    %jit3A_76 = arith.constant 1 : i32
    %jit3A_77 = arith.constant 0 : i32
    %broadcast_in_dim3A_78 = vector.broadcast %jit3A_76 : i32 to vector<16xi32>
    %broadcast_in_dim3A_79 = vector.broadcast %jit3A_77 : i32 to vector<16xi32>
    %select_n3A_80 = arith.select %le3A_75, %broadcast_in_dim3A_78, %broadcast_in_dim3A_79 : vector<16xi1>, vector<16xi32>
    %add3A_81 = arith.addi %add3A_64, %select_n3A_80 : vector<16xi32>
    %jit3A_82 = arith.constant 0.000000e+00 : f32
    %broadcast_in_dim3A_83 = vector.broadcast %jit3A_82 : f32 to vector<16xf32>
    %select_n3A_84 = arith.select %le3A_75, %get3A_74, %broadcast_in_dim3A_83 : vector<16xi1>, vector<16xf32>
    %max3A_85 = arith.maximumf %max3A_68, %select_n3A_84 : vector<16xf32>
    %jit3A_86 = arith.constant 4.100000e+00 : f32
    %broadcast_in_dim3A_87 = vector.broadcast %jit3A_86 : f32 to vector<16xf32>
    %select_n3A_88 = arith.select %le3A_75, %broadcast_in_dim3A_87, %get3A_74 : vector<16xi1>, vector<16xf32>
    %min3A_89 = arith.minimumf %min3A_72, %select_n3A_88 : vector<16xf32>
    %reduce_sum3A = arith.constant true
    %reduce_sum3A_90 = vector.broadcast %reduce_sum3A : i1 to vector<16xi1>
    %reduce_sum3A_91 = tpu.scan <sum>, %add3A_81 masked %reduce_sum3A_90 : vector<16xi32>, vector<16xi1> -> vector<16xi32>
    %reduce_sum3A_92 = vector.extract %reduce_sum3A_91[15] : i32 from vector<16xi32>
    %dma_start3A_93 = arith.constant 0 : i32
    %dma_start3A_94 = tpu.memref_slice %arg4[%reduce_sum3A_92, %mul3A_2, %dma_start3A_93] : memref<64x256x512xf32, #tpu.memory_space<hbm>> -> memref<1x8x512xf32, #tpu.memory_space<hbm>>
    %dma_start3A_95 = tpu.memref_squeeze %dma_start3A_94 : memref<1x8x512xf32, #tpu.memory_space<hbm>> -> memref<8x512xf32, #tpu.memory_space<hbm>>
    %dma_start3A_96 = arith.constant 0 : i32
    %dma_start3A_97 = tpu.memref_slice %arg4[%reduce_sum3A_92, %mul3A_2, %dma_start3A_96] : memref<64x256x512xf32, #tpu.memory_space<hbm>> -> memref<1x8x512xf32, #tpu.memory_space<hbm>>
    %dma_start3A_98 = tpu.memref_squeeze %dma_start3A_97 : memref<1x8x512xf32, #tpu.memory_space<hbm>> -> memref<8x512xf32, #tpu.memory_space<hbm>>
    tpu.enqueue_dma source(%dma_start3A_98 : memref<8x512xf32, #tpu.memory_space<hbm>>) target(%arg8 : memref<8x512xf32, #tpu.memory_space<vmem>>) target_semaphore(%arg10 : memref<!tpu.dma_semaphore, #tpu.memory_space<semaphore_mem>>)
    %add3A_99 = arith.constant 1 : i32
    %add3A_100 = arith.addi %reduce_sum3A_92, %add3A_99 : i32
    %dma_start3A_101 = arith.constant 0 : i32
    %dma_start3A_102 = tpu.memref_slice %arg4[%add3A_100, %mul3A_2, %dma_start3A_101] : memref<64x256x512xf32, #tpu.memory_space<hbm>> -> memref<1x8x512xf32, #tpu.memory_space<hbm>>
    %dma_start3A_103 = tpu.memref_squeeze %dma_start3A_102 : memref<1x8x512xf32, #tpu.memory_space<hbm>> -> memref<8x512xf32, #tpu.memory_space<hbm>>
    %dma_start3A_104 = arith.constant 0 : i32
    %dma_start3A_105 = tpu.memref_slice %arg4[%add3A_100, %mul3A_2, %dma_start3A_104] : memref<64x256x512xf32, #tpu.memory_space<hbm>> -> memref<1x8x512xf32, #tpu.memory_space<hbm>>
    %dma_start3A_106 = tpu.memref_squeeze %dma_start3A_105 : memref<1x8x512xf32, #tpu.memory_space<hbm>> -> memref<8x512xf32, #tpu.memory_space<hbm>>
    tpu.enqueue_dma source(%dma_start3A_106 : memref<8x512xf32, #tpu.memory_space<hbm>>) target(%arg9 : memref<8x512xf32, #tpu.memory_space<vmem>>) target_semaphore(%arg11 : memref<!tpu.dma_semaphore, #tpu.memory_space<semaphore_mem>>)
    %reduce_max3A = arith.constant true
    %reduce_max3A_107 = vector.broadcast %reduce_max3A : i1 to vector<16xi1>
    %reduce_max3A_108 = tpu.scan <max>, %max3A_85 masked %reduce_max3A_107 : vector<16xf32>, vector<16xi1> -> vector<16xf32>
    %reduce_max3A_109 = vector.extract %reduce_max3A_108[15] : f32 from vector<16xf32>
    %reduce_min3A = arith.constant true
    %reduce_min3A_110 = vector.broadcast %reduce_min3A : i1 to vector<16xi1>
    %reduce_min3A_111 = tpu.scan <min>, %min3A_89 masked %reduce_min3A_110 : vector<16xf32>, vector<16xi1> -> vector<16xf32>
    %reduce_min3A_112 = vector.extract %reduce_min3A_111[15] : f32 from vector<16xf32>
    %sub3A = arith.subf %squeeze3A, %reduce_max3A_109 : f32
    %broadcast_in_dim3A_113 = vector.broadcast %sub3A : f32 to vector<16xf32>
    %sub3A_114 = arith.subf %reduce_min3A_112, %reduce_max3A_109 : f32
    %broadcast_in_dim3A_115 = vector.broadcast %sub3A_114 : f32 to vector<16xf32>
    %div3A = arith.divf %broadcast_in_dim3A_113, %broadcast_in_dim3A_115 : vector<16xf32>
    %sub3A_116 = arith.constant 1.000000e+00 : f32
    %sub3A_117 = vector.broadcast %sub3A_116 : f32 to vector<16xf32>
    %sub3A_118 = arith.subf %sub3A_117, %div3A : vector<16xf32>
    %dma_wait3A_119 = arith.constant 0 : i32
    %dma_wait3A_120 = tpu.memref_slice %arg4[%reduce_sum3A_92, %mul3A_2, %dma_wait3A_119] : memref<64x256x512xf32, #tpu.memory_space<hbm>> -> memref<1x8x512xf32, #tpu.memory_space<hbm>>
    %dma_wait3A_121 = tpu.memref_squeeze %dma_wait3A_120 : memref<1x8x512xf32, #tpu.memory_space<hbm>> -> memref<8x512xf32, #tpu.memory_space<hbm>>
    %dma_wait3A_122 = arith.constant 0 : i32
    %dma_wait3A_123 = tpu.memref_slice %arg4[%reduce_sum3A_92, %mul3A_2, %dma_wait3A_122] : memref<64x256x512xf32, #tpu.memory_space<hbm>> -> memref<1x8x512xf32, #tpu.memory_space<hbm>>
    %dma_wait3A_124 = tpu.memref_squeeze %dma_wait3A_123 : memref<1x8x512xf32, #tpu.memory_space<hbm>> -> memref<8x512xf32, #tpu.memory_space<hbm>>
    tpu.wait_dma2 semaphore(%arg10 : memref<!tpu.dma_semaphore, #tpu.memory_space<semaphore_mem>>) src(%dma_wait3A_124 : memref<8x512xf32, #tpu.memory_space<hbm>>) dst(%arg8 : memref<8x512xf32, #tpu.memory_space<vmem>>)
    %dma_wait3A_125 = arith.constant 0 : i32
    %dma_wait3A_126 = tpu.memref_slice %arg4[%add3A_100, %mul3A_2, %dma_wait3A_125] : memref<64x256x512xf32, #tpu.memory_space<hbm>> -> memref<1x8x512xf32, #tpu.memory_space<hbm>>
    %dma_wait3A_127 = tpu.memref_squeeze %dma_wait3A_126 : memref<1x8x512xf32, #tpu.memory_space<hbm>> -> memref<8x512xf32, #tpu.memory_space<hbm>>
    %dma_wait3A_128 = arith.constant 0 : i32
    %dma_wait3A_129 = tpu.memref_slice %arg4[%add3A_100, %mul3A_2, %dma_wait3A_128] : memref<64x256x512xf32, #tpu.memory_space<hbm>> -> memref<1x8x512xf32, #tpu.memory_space<hbm>>
    %dma_wait3A_130 = tpu.memref_squeeze %dma_wait3A_129 : memref<1x8x512xf32, #tpu.memory_space<hbm>> -> memref<8x512xf32, #tpu.memory_space<hbm>>
    tpu.wait_dma2 semaphore(%arg11 : memref<!tpu.dma_semaphore, #tpu.memory_space<semaphore_mem>>) src(%dma_wait3A_130 : memref<8x512xf32, #tpu.memory_space<hbm>>) dst(%arg9 : memref<8x512xf32, #tpu.memory_space<vmem>>)
    %parallel_loop3A = arith.constant 0 : i32
    %parallel_loop3A_131 = arith.constant 32 : i32
    %parallel_loop3A_132 = arith.constant 1 : i32
    scf.for %parallel_loop3A_133 = %parallel_loop3A to %parallel_loop3A_131 step %parallel_loop3A_132  : i32 {
      %parallel_loop3A_134 = arith.constant 16 : i32
      %parallel_loop3A_135 = arith.muli %parallel_loop3A_133, %parallel_loop3A_134 : i32
      %parallel_loop3A_136 = arith.constant 0 : i32
      %parallel_loop3A_137 = arith.index_cast %parallel_loop3A_136 : i32 to index
      %parallel_loop3A_138 = arith.index_cast %parallel_loop3A_135 : i32 to index
      %parallel_loop3A_139 = tpu.vector_load %arg8[%parallel_loop3A_137, %parallel_loop3A_138] {strides = array<i32>} : memref<8x512xf32, #tpu.memory_space<vmem>>, vector<16xf32>,
      %parallel_loop3A_140 = arith.mulf %div3A, %parallel_loop3A_139 : vector<16xf32>
      %parallel_loop3A_141 = arith.constant 0 : i32
      %parallel_loop3A_142 = arith.index_cast %parallel_loop3A_141 : i32 to index
      %parallel_loop3A_143 = arith.index_cast %parallel_loop3A_135 : i32 to index
      %parallel_loop3A_144 = tpu.vector_load %arg9[%parallel_loop3A_142, %parallel_loop3A_143] {strides = array<i32>} : memref<8x512xf32, #tpu.memory_space<vmem>>, vector<16xf32>,
      %parallel_loop3A_145 = arith.mulf %sub3A_118, %parallel_loop3A_144 : vector<16xf32>
      %parallel_loop3A_146 = arith.addf %parallel_loop3A_140, %parallel_loop3A_145 : vector<16xf32>
      %parallel_loop3A_147 = arith.constant 0 : i32
      %parallel_loop3A_148 = arith.index_cast %parallel_loop3A_147 : i32 to index
      %parallel_loop3A_149 = arith.index_cast %parallel_loop3A_135 : i32 to index
      %parallel_loop3A_150 = tpu.vector_load %arg8[%parallel_loop3A_148, %parallel_loop3A_149] {strides = array<i32>} : memref<8x512xf32, #tpu.memory_space<vmem>>, vector<16xf32>,
      tpu.vector_store %arg8[%parallel_loop3A_148, %parallel_loop3A_149], %parallel_loop3A_146 {strides = array<i32>} : memref<8x512xf32, #tpu.memory_space<vmem>>, vector<16xf32>,
      %parallel_loop3A_151 = arith.constant 1 : i32
      %parallel_loop3A_152 = arith.index_cast %parallel_loop3A_151 : i32 to index
      %parallel_loop3A_153 = arith.index_cast %parallel_loop3A_135 : i32 to index
      %parallel_loop3A_154 = tpu.vector_load %arg8[%parallel_loop3A_152, %parallel_loop3A_153] {strides = array<i32>} : memref<8x512xf32, #tpu.memory_space<vmem>>, vector<16xf32>,
      %parallel_loop3A_155 = arith.mulf %div3A, %parallel_loop3A_154 : vector<16xf32>
      %parallel_loop3A_156 = arith.constant 1 : i32
      %parallel_loop3A_157 = arith.index_cast %parallel_loop3A_156 : i32 to index
      %parallel_loop3A_158 = arith.index_cast %parallel_loop3A_135 : i32 to index
      %parallel_loop3A_159 = tpu.vector_load %arg9[%parallel_loop3A_157, %parallel_loop3A_158] {strides = array<i32>} : memref<8x512xf32, #tpu.memory_space<vmem>>, vector<16xf32>,
      %parallel_loop3A_160 = arith.mulf %sub3A_118, %parallel_loop3A_159 : vector<16xf32>
      %parallel_loop3A_161 = arith.addf %parallel_loop3A_155, %parallel_loop3A_160 : vector<16xf32>
      %parallel_loop3A_162 = arith.constant 1 : i32
      %parallel_loop3A_163 = arith.index_cast %parallel_loop3A_162 : i32 to index
      %parallel_loop3A_164 = arith.index_cast %parallel_loop3A_135 : i32 to index
      %parallel_loop3A_165 = tpu.vector_load %arg8[%parallel_loop3A_163, %parallel_loop3A_164] {strides = array<i32>} : memref<8x512xf32, #tpu.memory_space<vmem>>, vector<16xf32>,
      tpu.vector_store %arg8[%parallel_loop3A_163, %parallel_loop3A_164], %parallel_loop3A_161 {strides = array<i32>} : memref<8x512xf32, #tpu.memory_space<vmem>>, vector<16xf32>,
      %parallel_loop3A_166 = arith.constant 2 : i32
      %parallel_loop3A_167 = arith.index_cast %parallel_loop3A_166 : i32 to index
      %parallel_loop3A_168 = arith.index_cast %parallel_loop3A_135 : i32 to index
      %parallel_loop3A_169 = tpu.vector_load %arg8[%parallel_loop3A_167, %parallel_loop3A_168] {strides = array<i32>} : memref<8x512xf32, #tpu.memory_space<vmem>>, vector<16xf32>,
      %parallel_loop3A_170 = arith.mulf %div3A, %parallel_loop3A_169 : vector<16xf32>
      %parallel_loop3A_171 = arith.constant 2 : i32
      %parallel_loop3A_172 = arith.index_cast %parallel_loop3A_171 : i32 to index
      %parallel_loop3A_173 = arith.index_cast %parallel_loop3A_135 : i32 to index
      %parallel_loop3A_174 = tpu.vector_load %arg9[%parallel_loop3A_172, %parallel_loop3A_173] {strides = array<i32>} : memref<8x512xf32, #tpu.memory_space<vmem>>, vector<16xf32>,
      %parallel_loop3A_175 = arith.mulf %sub3A_118, %parallel_loop3A_174 : vector<16xf32>
      %parallel_loop3A_176 = arith.addf %parallel_loop3A_170, %parallel_loop3A_175 : vector<16xf32>
      %parallel_loop3A_177 = arith.constant 2 : i32
      %parallel_loop3A_178 = arith.index_cast %parallel_loop3A_177 : i32 to index
      %parallel_loop3A_179 = arith.index_cast %parallel_loop3A_135 : i32 to index
      %parallel_loop3A_180 = tpu.vector_load %arg8[%parallel_loop3A_178, %parallel_loop3A_179] {strides = array<i32>} : memref<8x512xf32, #tpu.memory_space<vmem>>, vector<16xf32>,
      tpu.vector_store %arg8[%parallel_loop3A_178, %parallel_loop3A_179], %parallel_loop3A_176 {strides = array<i32>} : memref<8x512xf32, #tpu.memory_space<vmem>>, vector<16xf32>,
      %parallel_loop3A_181 = arith.constant 3 : i32
      %parallel_loop3A_182 = arith.index_cast %parallel_loop3A_181 : i32 to index
      %parallel_loop3A_183 = arith.index_cast %parallel_loop3A_135 : i32 to index
      %parallel_loop3A_184 = tpu.vector_load %arg8[%parallel_loop3A_182, %parallel_loop3A_183] {strides = array<i32>} : memref<8x512xf32, #tpu.memory_space<vmem>>, vector<16xf32>,
      %parallel_loop3A_185 = arith.mulf %div3A, %parallel_loop3A_184 : vector<16xf32>
      %parallel_loop3A_186 = arith.constant 3 : i32
      %parallel_loop3A_187 = arith.index_cast %parallel_loop3A_186 : i32 to index
      %parallel_loop3A_188 = arith.index_cast %parallel_loop3A_135 : i32 to index
      %parallel_loop3A_189 = tpu.vector_load %arg9[%parallel_loop3A_187, %parallel_loop3A_188] {strides = array<i32>} : memref<8x512xf32, #tpu.memory_space<vmem>>, vector<16xf32>,
      %parallel_loop3A_190 = arith.mulf %sub3A_118, %parallel_loop3A_189 : vector<16xf32>
      %parallel_loop3A_191 = arith.addf %parallel_loop3A_185, %parallel_loop3A_190 : vector<16xf32>
      %parallel_loop3A_192 = arith.constant 3 : i32
      %parallel_loop3A_193 = arith.index_cast %parallel_loop3A_192 : i32 to index
      %parallel_loop3A_194 = arith.index_cast %parallel_loop3A_135 : i32 to index
      %parallel_loop3A_195 = tpu.vector_load %arg8[%parallel_loop3A_193, %parallel_loop3A_194] {strides = array<i32>} : memref<8x512xf32, #tpu.memory_space<vmem>>, vector<16xf32>,
      tpu.vector_store %arg8[%parallel_loop3A_193, %parallel_loop3A_194], %parallel_loop3A_191 {strides = array<i32>} : memref<8x512xf32, #tpu.memory_space<vmem>>, vector<16xf32>,
      %parallel_loop3A_196 = arith.constant 4 : i32
      %parallel_loop3A_197 = arith.index_cast %parallel_loop3A_196 : i32 to index
      %parallel_loop3A_198 = arith.index_cast %parallel_loop3A_135 : i32 to index
      %parallel_loop3A_199 = tpu.vector_load %arg8[%parallel_loop3A_197, %parallel_loop3A_198] {strides = array<i32>} : memref<8x512xf32, #tpu.memory_space<vmem>>, vector<16xf32>,
      %parallel_loop3A_200 = arith.mulf %div3A, %parallel_loop3A_199 : vector<16xf32>
      %parallel_loop3A_201 = arith.constant 4 : i32
      %parallel_loop3A_202 = arith.index_cast %parallel_loop3A_201 : i32 to index
      %parallel_loop3A_203 = arith.index_cast %parallel_loop3A_135 : i32 to index
      %parallel_loop3A_204 = tpu.vector_load %arg9[%parallel_loop3A_202, %parallel_loop3A_203] {strides = array<i32>} : memref<8x512xf32, #tpu.memory_space<vmem>>, vector<16xf32>,
      %parallel_loop3A_205 = arith.mulf %sub3A_118, %parallel_loop3A_204 : vector<16xf32>
      %parallel_loop3A_206 = arith.addf %parallel_loop3A_200, %parallel_loop3A_205 : vector<16xf32>
      %parallel_loop3A_207 = arith.constant 4 : i32
      %parallel_loop3A_208 = arith.index_cast %parallel_loop3A_207 : i32 to index
      %parallel_loop3A_209 = arith.index_cast %parallel_loop3A_135 : i32 to index
      %parallel_loop3A_210 = tpu.vector_load %arg8[%parallel_loop3A_208, %parallel_loop3A_209] {strides = array<i32>} : memref<8x512xf32, #tpu.memory_space<vmem>>, vector<16xf32>,
      tpu.vector_store %arg8[%parallel_loop3A_208, %parallel_loop3A_209], %parallel_loop3A_206 {strides = array<i32>} : memref<8x512xf32, #tpu.memory_space<vmem>>, vector<16xf32>,
      %parallel_loop3A_211 = arith.constant 5 : i32
      %parallel_loop3A_212 = arith.index_cast %parallel_loop3A_211 : i32 to index
      %parallel_loop3A_213 = arith.index_cast %parallel_loop3A_135 : i32 to index
      %parallel_loop3A_214 = tpu.vector_load %arg8[%parallel_loop3A_212, %parallel_loop3A_213] {strides = array<i32>} : memref<8x512xf32, #tpu.memory_space<vmem>>, vector<16xf32>,
      %parallel_loop3A_215 = arith.mulf %div3A, %parallel_loop3A_214 : vector<16xf32>
      %parallel_loop3A_216 = arith.constant 5 : i32
      %parallel_loop3A_217 = arith.index_cast %parallel_loop3A_216 : i32 to index
      %parallel_loop3A_218 = arith.index_cast %parallel_loop3A_135 : i32 to index
      %parallel_loop3A_219 = tpu.vector_load %arg9[%parallel_loop3A_217, %parallel_loop3A_218] {strides = array<i32>} : memref<8x512xf32, #tpu.memory_space<vmem>>, vector<16xf32>,
      %parallel_loop3A_220 = arith.mulf %sub3A_118, %parallel_loop3A_219 : vector<16xf32>
      %parallel_loop3A_221 = arith.addf %parallel_loop3A_215, %parallel_loop3A_220 : vector<16xf32>
      %parallel_loop3A_222 = arith.constant 5 : i32
      %parallel_loop3A_223 = arith.index_cast %parallel_loop3A_222 : i32 to index
      %parallel_loop3A_224 = arith.index_cast %parallel_loop3A_135 : i32 to index
      %parallel_loop3A_225 = tpu.vector_load %arg8[%parallel_loop3A_223, %parallel_loop3A_224] {strides = array<i32>} : memref<8x512xf32, #tpu.memory_space<vmem>>, vector<16xf32>,
      tpu.vector_store %arg8[%parallel_loop3A_223, %parallel_loop3A_224], %parallel_loop3A_221 {strides = array<i32>} : memref<8x512xf32, #tpu.memory_space<vmem>>, vector<16xf32>,
      %parallel_loop3A_226 = arith.constant 6 : i32
      %parallel_loop3A_227 = arith.index_cast %parallel_loop3A_226 : i32 to index
      %parallel_loop3A_228 = arith.index_cast %parallel_loop3A_135 : i32 to index
      %parallel_loop3A_229 = tpu.vector_load %arg8[%parallel_loop3A_227, %parallel_loop3A_228] {strides = array<i32>} : memref<8x512xf32, #tpu.memory_space<vmem>>, vector<16xf32>,
      %parallel_loop3A_230 = arith.mulf %div3A, %parallel_loop3A_229 : vector<16xf32>
      %parallel_loop3A_231 = arith.constant 6 : i32
      %parallel_loop3A_232 = arith.index_cast %parallel_loop3A_231 : i32 to index
      %parallel_loop3A_233 = arith.index_cast %parallel_loop3A_135 : i32 to index
      %parallel_loop3A_234 = tpu.vector_load %arg9[%parallel_loop3A_232, %parallel_loop3A_233] {strides = array<i32>} : memref<8x512xf32, #tpu.memory_space<vmem>>, vector<16xf32>,
      %parallel_loop3A_235 = arith.mulf %sub3A_118, %parallel_loop3A_234 : vector<16xf32>
      %parallel_loop3A_236 = arith.addf %parallel_loop3A_230, %parallel_loop3A_235 : vector<16xf32>
      %parallel_loop3A_237 = arith.constant 6 : i32
      %parallel_loop3A_238 = arith.index_cast %parallel_loop3A_237 : i32 to index
      %parallel_loop3A_239 = arith.index_cast %parallel_loop3A_135 : i32 to index
      %parallel_loop3A_240 = tpu.vector_load %arg8[%parallel_loop3A_238, %parallel_loop3A_239] {strides = array<i32>} : memref<8x512xf32, #tpu.memory_space<vmem>>, vector<16xf32>,
      tpu.vector_store %arg8[%parallel_loop3A_238, %parallel_loop3A_239], %parallel_loop3A_236 {strides = array<i32>} : memref<8x512xf32, #tpu.memory_space<vmem>>, vector<16xf32>,
      %parallel_loop3A_241 = arith.constant 7 : i32
      %parallel_loop3A_242 = arith.index_cast %parallel_loop3A_241 : i32 to index
      %parallel_loop3A_243 = arith.index_cast %parallel_loop3A_135 : i32 to index
      %parallel_loop3A_244 = tpu.vector_load %arg8[%parallel_loop3A_242, %parallel_loop3A_243] {strides = array<i32>} : memref<8x512xf32, #tpu.memory_space<vmem>>, vector<16xf32>,
      %parallel_loop3A_245 = arith.mulf %div3A, %parallel_loop3A_244 : vector<16xf32>
      %parallel_loop3A_246 = arith.constant 7 : i32
      %parallel_loop3A_247 = arith.index_cast %parallel_loop3A_246 : i32 to index
      %parallel_loop3A_248 = arith.index_cast %parallel_loop3A_135 : i32 to index
      %parallel_loop3A_249 = tpu.vector_load %arg9[%parallel_loop3A_247, %parallel_loop3A_248] {strides = array<i32>} : memref<8x512xf32, #tpu.memory_space<vmem>>, vector<16xf32>,
      %parallel_loop3A_250 = arith.mulf %sub3A_118, %parallel_loop3A_249 : vector<16xf32>
      %parallel_loop3A_251 = arith.addf %parallel_loop3A_245, %parallel_loop3A_250 : vector<16xf32>
      %parallel_loop3A_252 = arith.constant 7 : i32
      %parallel_loop3A_253 = arith.index_cast %parallel_loop3A_252 : i32 to index
      %parallel_loop3A_254 = arith.index_cast %parallel_loop3A_135 : i32 to index
      %parallel_loop3A_255 = tpu.vector_load %arg8[%parallel_loop3A_253, %parallel_loop3A_254] {strides = array<i32>} : memref<8x512xf32, #tpu.memory_space<vmem>>, vector<16xf32>,
      tpu.vector_store %arg8[%parallel_loop3A_253, %parallel_loop3A_254], %parallel_loop3A_251 {strides = array<i32>} : memref<8x512xf32, #tpu.memory_space<vmem>>, vector<16xf32>,
    } {sc.loop_unroll_factor = 4 : i64, sc.parallel_access}
    "tpu.region"() ({
      %run_scoped3A = tpu.sem_alloc : memref<!tpu.dma_semaphore, #tpu.memory_space<semaphore_mem>>
      %dma_start3A_133 = arith.constant 0 : i32
      %dma_start3A_134 = tpu.memref_slice %arg5[%mul3A_2, %dma_start3A_133] : memref<256x512xf32, #tpu.memory_space<hbm>> -> memref<8x512xf32, #tpu.memory_space<hbm>>
      %dma_start3A_135 = arith.constant 0 : i32
      %dma_start3A_136 = tpu.memref_slice %arg5[%mul3A_2, %dma_start3A_135] : memref<256x512xf32, #tpu.memory_space<hbm>> -> memref<8x512xf32, #tpu.memory_space<hbm>>
      tpu.enqueue_dma source(%arg8 : memref<8x512xf32, #tpu.memory_space<vmem>>) target(%dma_start3A_136 : memref<8x512xf32, #tpu.memory_space<hbm>>) target_semaphore(%run_scoped3A : memref<!tpu.dma_semaphore, #tpu.memory_space<semaphore_mem>>)
      %dma_wait3A_137 = arith.constant 0 : i32
      %dma_wait3A_138 = tpu.memref_slice %arg5[%mul3A_2, %dma_wait3A_137] : memref<256x512xf32, #tpu.memory_space<hbm>> -> memref<8x512xf32, #tpu.memory_space<hbm>>
      %dma_wait3A_139 = arith.constant 0 : i32
      %dma_wait3A_140 = tpu.memref_slice %arg5[%mul3A_2, %dma_wait3A_139] : memref<256x512xf32, #tpu.memory_space<hbm>> -> memref<8x512xf32, #tpu.memory_space<hbm>>
      tpu.wait_dma2 semaphore(%run_scoped3A : memref<!tpu.dma_semaphore, #tpu.memory_space<semaphore_mem>>) src(%arg8 : memref<8x512xf32, #tpu.memory_space<vmem>>) dst(%dma_wait3A_140 : memref<8x512xf32, #tpu.memory_space<hbm>>)
      tpu.yield
    }) : () -> ()
    return
  }
}

</mosaic_0001>

<sc_bundles>
// kernel: kernel.3.cloned.1.call-start
scs
__scs_entry_jumppad:
0x0: {  	(pc) =	sbr.rel $0x88, $3  }
0x1: {  	(tag) =	ssettag $0x0;
	lr =	simm.s32 $0x1  }
0x2: {  	[smem:$0x3F9E] =	sst lr;
	_ =	strace $0xD0000000  }
0x3: {  	_ = 	snop  }
0x4: {  	_ = 	snop  }
0x5: {  	_ = 	snop  }
0x6: {  	_ = 	snop  }
0x7: {  	_ = 	snop  }
__scs_overlays_trampoline_lowered:
0x8: {  	[smem:$0x3FAD] =	sst s0  }
0x9: {  	[smem:$0x3FAE] =	sst s1  }
0xa: {  	[smem:$0x3FAF] =	sst s2  }
0xb: {  	[smem:$0x3FB0] =	sst s3  }
0xc: {  	[smem:$0x3FB1] =	sst s4  }
0xd: {  	[smem:$0x3FB2] =	sst s5  }
0xe: {  	[smem:$0x3FB3] =	sst s6  }
0xf: {  	[smem:$0x3FB4] =	sst s7  }
0x10: {  	[smem:$0x3FB5] =	sst s8  }
0x11: {  	[smem:$0x3FB6] =	sst s9;
	s0 =	simm.s32 @!p0 $0x0  }
0x12: {  	s1 =	sld [smem:$0x3F9C];
	s0 =	simm.s32 @p0 $0x1  }
0x13: {  	[smem:$0x3FB7] =	sst s0;
	s0 =	simm.s32 @!p1 $0x0  }
0x14: {  	s2 =	sld [smem:$0x3F9B];
	s0 =	simm.s32 @p1 $0x1  }
0x15: {  	[smem:$0x3FB8] =	sst s0;
	s0 =	simm.s32 @!p2 $0x0  }
0x16: {  	s3 =	sld [smem:$0x3FDB];
	s0 =	simm.s32 @p2 $0x1  }
0x17: {  	s4 =	simm.s32 $0x1BF5;
	[smem:$0x3FBA] =	sst s0  }
0x18: {  	s0 =	sld [smem:$0x3F9D];
	_ =	swait.ge [sflag:s4], $0x0  }
0x19: {  	s7 =	sld [smem:$0x3F9E]  }
0x1a: {  	s8 =	sadd.s32 $0xFFFFE003, lr  }
0x1b: {  	s9 =	sadd.s32 $0xFFFFFEF7, lr;
	s5 =	simm.s32 $0xFFFFFFFF;
	p2 =	slt.u32 s8, $0xFFFFF086  }
0x1c: {  	p1 =	slt.u32 s9, $0xF7A;
	s5 =	simm.s32 @!p2 $0x0  }
0x1d: {  	s5 =	simm.s32 @p1 $0x1;
	p0 =	seq.s32 s7, s2  }
0x1e: {  	s7 =	smul.u32 @!p0 $0xF7A, s2;
	p2 =	seq.s32 @!p0 s5, $0x0  }
0x1f: {  	s9 =	smul.u32 $0xF7A, s1;
	s8 =	simm.s32 @!p0 $0x1BF5;
	p2 =	por !p2, p0  }
0x20: {  	[sflag:s8] =	ssyncset.s32 @!p0 $0xFFFFF086;
	s6 =	sadd.s32 @!p0 s3, s7;
	s7 =	simm.s32 @!p0 $0x108  }
0x21: {  	s3 =	sadd.s32 s3, s9;
	s6 =	sadd.s32 @!p0 $0x88, s6;
	s7 =	simm.s32 @p2 $0x1082  }
0x22: {  	[simem:s7], [sflag:s8] =	dma.local @!p0 [hbm:s6], $0xF7A  }
0x23: {  	s9 =	sor.u32 $0xD0000000, s2;
	s6 =	simm.s32 $0x108;
	_ =	swait.ge @!p0 [sflag:s8], $0x0  }
0x24: {  	s3 =	sadd.s32 $0x88, s3;
	s6 =	simm.s32 @!p1 $0x1082;
	[sflag:s4] =	ssyncset.s32 $0xFFFFF086  }
0x25: {  	[simem:s6], [sflag:s4] =	dma.local [hbm:s3], $0xF7A  }
0x26: {  	[smem:$0x3F9E] =	sst s1;
	(tag) =	ssettag s2;
	_ =	strace s9  }
0x27: {  	s1 =	sld [smem:$0x3FAE]  }
0x28: {  	s2 =	sld [smem:$0x3FAF]  }
0x29: {  	s4 =	sld [smem:$0x3FB1]  }
0x2a: {  	p0 =	seq.s32 s5, $0x0;
	s5 =	sld [smem:$0x3FB2]  }
0x2b: {  	s6 =	sld [smem:$0x3FB3]  }
0x2c: {  	s7 =	sld [smem:$0x3FB4]  }
0x2d: {  	s3 =	simm.s32 $0x108;
	s8 =	sld [smem:$0x3FB5]  }
0x2e: {  	s3 =	simm.s32 @!p0 $0x1082;
	s9 =	sld [smem:$0x3FB6]  }
0x2f: {  	lr =	sadd.s32 s0, s3;
	s0 =	sld [smem:$0x3FAD]  }
0x30: {  	s3 =	sld [smem:$0x3FB0]  }
0x31: {  	[smem:$0x3FB9] =	sst s10  }
0x32: {  	s10 =	sld [smem:$0x3FB7];
	_ =	sdelay $0x3  }
0x33: {  	p0 =	seq.s32 s10, $0x1;
	s10 =	sld [smem:$0x3FB9];
	_ =	sdelay $0x3  }
0x34: {  	[smem:$0x3FB9] =	sst s10  }
0x35: {  	s10 =	sld [smem:$0x3FB8];
	_ =	sdelay $0x3  }
0x36: {  	p1 =	seq.s32 s10, $0x1;
	s10 =	sld [smem:$0x3FB9];
	_ =	sdelay $0x3  }
0x37: {  	[smem:$0x3FB9] =	sst s10  }
0x38: {  	s10 =	sld [smem:$0x3FBA]  }
0x39: {  	_ = 	snop;
	(pc) =	sbr.ind lr, $3  }
0x3a: {  	_ = 	snop  }
0x3b: {  	_ = 	snop  }
0x3c: {  	p2 =	seq.s32 s10, $0x1;
	s10 =	sld [smem:$0x3FB9]  }
0x3d: {  	_ =	shalt  }
0x3e: {  	_ =	shalt  }
0x3f: {  	_ =	shalt  }
0x40: {  	_ =	shalt  }
0x41: {  	_ =	shalt  }
0x42: {  	_ =	shalt  }
0x43: {  	_ =	shalt  }
0x44: {  	_ =	shalt  }
0x45: {  	_ =	shalt  }
0x46: {  	_ =	shalt  }
0x47: {  	_ =	shalt  }
0x48: {  	_ =	shalt  }
0x49: {  	_ =	shalt  }
0x4a: {  	_ =	shalt  }
0x4b: {  	_ =	shalt  }
0x4c: {  	_ =	shalt  }
0x4d: {  	_ =	shalt  }
0x4e: {  	_ =	shalt  }
0x4f: {  	_ =	shalt  }
0x50: {  	_ =	shalt  }
0x51: {  	_ =	shalt  }
0x52: {  	_ =	shalt  }
0x53: {  	_ =	shalt  }
0x54: {  	_ =	shalt  }
0x55: {  	_ =	shalt  }
0x56: {  	_ =	shalt  }
0x57: {  	_ =	shalt  }
0x58: {  	_ =	shalt  }
0x59: {  	_ =	shalt  }
0x5a: {  	_ =	shalt  }
0x5b: {  	_ =	shalt  }
0x5c: {  	_ =	shalt  }
0x5d: {  	_ =	shalt  }
0x5e: {  	_ =	shalt  }
0x5f: {  	_ =	shalt  }
0x60: {  	_ =	shalt  }
0x61: {  	_ =	shalt  }
0x62: {  	_ =	shalt  }
0x63: {  	_ =	shalt  }
0x64: {  	_ =	shalt  }
0x65: {  	_ =	shalt  }
0x66: {  	_ =	shalt  }
0x67: {  	_ =	shalt  }
0x68: {  	_ =	shalt  }
0x69: {  	_ =	shalt  }
0x6a: {  	_ =	shalt  }
0x6b: {  	_ =	shalt  }
0x6c: {  	_ =	shalt  }
0x6d: {  	_ =	shalt  }
0x6e: {  	_ =	shalt  }
0x6f: {  	_ =	shalt  }
0x70: {  	_ =	shalt  }
0x71: {  	_ =	shalt  }
0x72: {  	_ =	shalt  }
0x73: {  	_ =	shalt  }
0x74: {  	_ =	shalt  }
0x75: {  	_ =	shalt  }
0x76: {  	_ =	shalt  }
0x77: {  	_ =	shalt  }
0x78: {  	_ =	shalt  }
0x79: {  	_ =	shalt  }
0x7a: {  	_ =	shalt  }
0x7b: {  	_ =	shalt  }
0x7c: {  	_ =	shalt  }
0x7d: {  	_ =	shalt  }
0x7e: {  	_ =	shalt  }
0x7f: {  	_ =	shalt  }
0x80: {  	_ =	shalt  }
0x81: {  	_ =	shalt  }
0x82: {  	_ =	shalt  }
0x83: {  	_ =	shalt  }
0x84: {  	_ =	shalt  }
0x85: {  	_ =	shalt  }
0x86: {  	_ =	shalt  }
0x87: {  	_ =	shalt  }
.Lfunc_end0:
.L_simem_size_0:
called_computation_lowered:
.L_overlay_start_0:
0x88: {  	s2 =	sld [smem:$0x3FD9]  }
0x89: {  	s3 =	sld [smem:$0x3FFE];
	_ =	sdelay $0x1  }
0x8a: {  	s1 =	srdreg.scid  }
0x8b: {  	s0 =	sand.u32 $0x1, s1  }
0x8c: {  	s18 =	sshll.u32 s0, $0xA;
	s2 =	sadd.s32 s3, s2  }
0x8d: {  	s2 =	sadd.s32 s2, s18  }
0x8e: {  	[smem:$0x3FC5] =	sst s2  }
0x8f: {  	_ = 	snop  }
0x90: {  	s2 =	sld [smem:$0x3FC9]  }
0x91: {  	s19 =	sld [smem:$0x3FC8]  }
0x92: {  	s4 =	sld [smem:$0x3FC7]  }
0x93: {  	s5 =	sld [smem:$0x3FD0];
	(tm) =	ssettm $0x1  }
0x94: {  	s6 =	sld [smem:$0x3FFB];
	_ =	sdelay $0x3  }
0x95: {  	_ =	strace s6  }
0x96: {  	s6 =	sld [smem:$0x3FFC];
	_ =	sdelay $0x3  }
0x97: {  	_ =	strace s6  }
0x98: {  	s6 =	sld [smem:$0x3FFD];
	_ =	sdelay $0x3  }
0x99: {  	_ =	strace s6  }
0x9a: {  	_ =	strace $0x8FFFFFFF  }
0x9b: {  	s20 =	sld [smem:$0x3FDB];
	_ =	sdelay $0x1  }
0x9c: {  	s7 =	simm.s32 $_scs_section_size  }
0x9d: {  	s8 =	simm.s32 $_size__tile_overlayer_lowered;
	s9 =	simm.s32 $_tile_overlayer_lowered  }
0x9e: {  	s23 =	simm.s32 $0x1BFF;
	s22 =	sshll.u32 s9, $0x1;
	s6 =	sadd.s32 s7, s20  }
0x9f: {  	s10 =	simm.s32 $0x0;
	s21 =	sshll.u32 s8, $0x1;
	s8 =	sadd.s32 s22, s6  }
0xa0: {  	[timem:s10], [sflag:s23] =	dma.local [hbm:s8], s21  }
0xa1: {  	_ =	swait.ge [sflag:s23], s21  }
0xa2: {  	s7 =	ssub.s32 $0x0, s21;
	[sflag:s23] =	ssyncset.done $0x0  }
0xa3: {  	[sflag:s23] =	ssyncadd.s32 s7;
	_ =	sdelay $0x1  }
0xa4: {  	s24 =	simm.s32 $0x1B8B  }
0xa5: {  	_ =	swait.ge [sflag:s24], $0x1  }
0xa6: {  	[sflag:s24] =	ssyncset.done $0x0  }
0xa7: {  	s25 =	simm.s32 $0x1B8E;
	[sflag:s24] =	ssyncadd.s32 $0xFFFFFFFF  }
0xa8: {  	s26 =	simm.s32 $execute0_lowered;
	[smem:$0x3FD2] =	sst s25  }
0xa9: {  	s7 =	sshll.u32 s26, $0x1;
	_ =	strace $0x80000046;
	[dreg:$0x1] =	wrdreg $0xFFFFFFFF  }
0xaa: {  	s28 =	simm.s32 $_size_execute0_lowered;
	s6 =	sadd.s32 s6, s7;
	[dreg:$0x0] =	wrdreg $0x0  }
0xab: {  	s7 =	sshll.u32 s28, $0x1;
	[dreg:$0x2] =	wrdreg s6  }
0xac: {  	[dreg:$0x3] =	wrdreg s7  }
0xad: {  	[dreg:$0x4] =	wrdreg $0xC0  }
0xae: {  	_ =	task [dreg:s10], $0x5FFFF  }
0xaf: {  	[dreg:$0x1] =	wrdreg $0xFFFFFFFF  }
0xb0: {  	[dreg:$0x0] =	wrdreg $0x60  }
0xb1: {  	[dreg:$0x2] =	wrdreg s2  }
0xb2: {  	[dreg:$0x3] =	wrdreg s4  }
0xb3: {  	[dreg:$0x4] =	wrdreg s19  }
0xb4: {  	[dreg:$0x5] =	wrdreg s5  }
0xb5: {  	[dreg:$0x6] =	wrdreg $0x9  }
0xb6: {  	_ =	task.clear_ibuf [dreg:s10], $0x7FFFF;
	_ =	strace $0x90000046  }
0xb7: {  	s29 =	simm.s32 $0x9;
	_ =	strace $0x80000048  }
0xb8: {  	_ =	swait.ge [sflag:s29], $0x1  }
0xb9: {  	[sflag:s29] =	ssyncadd.s32 $0xFFFFFFFF  }
0xba: {  	_ =	strace $0x90000048  }
0xbb: {  	_ =	sfence  }
0xbc: {  	s30 =	sld [smem:$0x0];
	_ =	sdelay $0x2  }
0xbd: {  	s31 =	sshll.u32 s1, $0xD;
	s1 =	sshrl.u32 s1, $0x2  }
0xbe: {  	s3 =	sand.u32 $0x4000, s31;
	s1 =	sadd.s32 s1, s30  }
0xbf: {  	s0 =	sor.u32 s3, s0;
	s1 =	sshll.u32 s1, $0x11  }
0xc0: {  	s0 =	sor.u32 s1, s0  }
0xc1: {  	s0 =	sadd.s32 $0x8F2B, s0  }
0xc2: {  	[sflag:s0] =	ssyncadd.remote.s32 $0x1  }
0xc3: {  	_ =	sfence.sel $0xFFFF  }
0xc4: {  	[dreg:$0x0] =	wrdreg $0xFFFFFFFF;
	(pc) =	sbr.abs _section_cstart, $3  }
0xc5: {  	[dreg:$0x1] =	wrdreg $0xFFFFFFFF  }
0xc6: {  	_ =	task.clear_ibuf [dreg:s10], $0x2FFFF;
	_ =	strace $0x9FFFFFFF  }
0xc7: {  	(tm) =	ssettm $0x7FFFFFFF  }
tec
execute0_lowered:
.L_overlay_start_1:
0x0: {  	(tag) =	ssettag $0x1  }
0x1: {  	s0 =	rddreg [dreg:$0x3]  }
0x2: {  	s5 =	simm.s32 $0x0;
	s1 =	srdreg.scid;
	s3 =	stileid.u32  }
0x3: {  	s11 =	simm.s32 $0x1;
	s12 =	simm.s32 $0x2;
	s10 =	simm.s32 $0x100  }
0x4: {  	s15 =	simm.s32 $0x3;
	s16 =	simm.s32 $0x0;
	s1 =	sand.u32 $0x1, s1  }
0x5: {  	s3 =	sshll.u32 s3, $0xD;
	s2 =	ssub.s32 $0x2, s1;
	s1 =	sshll.u32 s1, $0xC  }
0x6: {  	[smem:$0x7FF] =	sst s5;
	s4 =	sshrl.u32 s2, $0x1;
	s6 =	sor.u32 s1, s3  }
0x7: {  	_ =	strace $0x80000047;
	s30 =	ssub.s32 s2, s4;
	s31 =	sshrl.u32 s6, $0x3  }
0x8: {  	v0 =	vimm.f32 $4.099999900e+00;
	v1 =	vimm.s32 $0x0;
	s7 =	sor.u32 $0x20000, s6;
	s8 =	sadd.s32 s0, s31;
	s9 =	smax.u32 s30, $0x1  }
.LBB2_1:
0x9: {  	[tilespmem:$0xB0] =	vst v0;
	s0 =	rddreg [dreg:$0x0]  }
0xa: {  	[tilespmem:s5], [sflag:$0x1] =	stream.linear.gather [hbm4b:s0+s5], $0x1, $0x38;
	[tilespmem:$0x2100] =	vst v63  }
0xb: {  	s30 =	rddreg [dreg:$0x1];
	s1 =	simm.s32 $0x80  }
0xc: {  	[tilespmem:s1], [sflag:$0x2] =	stream.linear.gather [hbm4b:s30+s5], $0x3E, $0x38;
	[tilespmem:$0x2100] =	vst v63  }
0xd: {  	_ =	swait.ge [sflag:s11], $0x1  }
0xe: {  	[sflag:s11] =	ssyncset.done $0x0  }
0xf: {  	[sflag:s11] =	ssyncadd.s32 $0xFFFFFFFF  }
0x10: {  	_ =	swait.ge [sflag:s12], $0x3E  }
0x11: {  	[sflag:s12] =	ssyncset.done $0x0  }
0x12: {  	[sflag:s12] =	ssyncadd.s32 $0xFFFFFFC2  }
0x13: {  	v2 =	vld [tilespmem:$0x0]  }
0x14: {  	v3 =	vld [tilespmem:$0x80]  }
0x15: {  	v4 =	vld [tilespmem:$0x90]  }
0x16: {  	v6 =	vld [tilespmem:$0xA0]  }
0x17: {  	v8 =	vld [tilespmem:$0xB0]  }
0x18: {  	v5 =	vbroadcast v2, $0x0;
	_ =	sdelay $0x1  }
0x19: {  	v7 =	vmax.f32 v3, $0.0e+00;
	vm0 =	vle.f32 v3, v5  }
0x1a: {  	v3 =	vmin.f32 v3, $4.099999900e+00;
	vm1 =	vle.f32 v4, v5;
	vm2 =	vle.f32 v6, v5  }
0x1b: {  	vm15 =	vle.f32 v8, v5;
	v7 =	vnsel vm0, $0x0, v7;
	v3 =	vsel vm0, $0x40833333, v3  }
0x1c: {  	v9 =	vnsel vm1, $0x0, v4;
	v4 =	vsel vm1, $0x40833333, v4;
	v10 =	vsel vm1, $0x1, v1  }
0x1d: {  	v7 =	vmax.f32 v7, v9;
	v3 =	vmin.f32 v3, v4;
	v9 =	vsel vm0, $0x1, v1  }
0x1e: {  	v4 =	vnsel vm2, $0x0, v6;
	v5 =	vadd.s32 v9, v10;
	v9 =	vsel vm2, $0x1, v1  }
0x1f: {  	v4 =	vmax.f32 v7, v4;
	v7 =	vsel vm15, $0x1, v1;
	v5 =	vadd.s32 v9, v5  }
0x20: {  	v6 =	vsel vm2, $0x40833333, v6;
	v9 =	vnsel vm15, $0x0, v8;
	v5 =	vadd.s32 v7, v5  }
0x21: {  	v3 =	vmin.f32 v3, v6;
	v6 =	vsel vm15, $0x40833333, v8;
	v4 =	vmax.f32 v4, v9;
	(xrf0) =	vadd.scan.msk.s32 $0xffff, v5  }
0x22: {  	v3 =	vmin.f32 v3, v6;
	(xrf0) =	vmax.scan.msk.f32 $0xffff, v4  }
0x23: {  	(xrf0) =	vmin.scan.msk.f32 $0xffff, v3;
	_ =	sdelay $0x3  }
0x24: {  	(v2sf) =	vpush v2, $0x0;
	v3, _, _ =	vpop (xrf0)  }
0x25: {  	v2, _, _ =	vpop (xrf0);
	(v2sf) =	vpush v3, $0xF  }
0x26: {  	(v2sf) =	vpush v2, $0xF;
	v2, _, _ =	vpop (xrf0)  }
0x27: {  	(v2sf) =	vpush v2, $0xF;
	_ =	sdelay $0xb  }
0x28: {  	s31 =	spop (v2sf)  }
0x29: {  	s4 =	spop (v2sf)  }
0x2a: {  	s2 =	spop (v2sf)  }
0x2b: {  	s3 =	spop (v2sf)  }
0x2c: {  	s3 =	ssub.f32 s3, s2;
	_ =	sdelay $0x1  }
0x2d: {  	v2 =	vmov s3  }
0x2e: {  	(erf) = vrcp.f32 v2;
	_ =	sdelay $0x2  }
0x2f: {  	s1 =	sshll.u32 s4, $0x11  }
0x30: {  	s13 =	sor.u32 s6, s1  }
0x31: {  	s4 =	rddreg [dreg:$0x2];
	s1 =	sadd.s32 s7, s1;
	s3 =	sshrl.u32 s13, $0x3  }
0x32: {  	s1 =	sshrl.u32 s1, $0x3;
	s3 =	sadd.s32 s4, s3  }
0x33: {  	[tilespmem:s10], [sflag:$0x1] =	stream.linear.gather [hbm4b:s3+s5], $0x1000, $0x38;
	[tilespmem:$0x2100] =	vst v63  }
0x34: {  	s14 =	simm.s32 $0x1100;
	s1 =	sadd.s32 s4, s1  }
0x35: {  	[tilespmem:s14], [sflag:$0x2] =	stream.linear.gather [hbm4b:s1+s5], $0x1000, $0x38;
	v2 =	vpop (erf);
	[tilespmem:$0x2100] =	vst v63  }
0x36: {  	_ =	swait.ge [sflag:s11], $0x1000  }
0x37: {  	[sflag:s11] =	ssyncset.done $0x0  }
0x38: {  	[sflag:s11] =	ssyncadd.s32 $0xFFFFF000  }
0x39: {  	_ =	swait.ge [sflag:s12], $0x1000  }
0x3a: {  	s17 =	sand.u32 $0x40, s5;
	s18 =	sand.u32 $0xC00, s5;
	[sflag:s12] =	ssyncset.done $0x0  }
0x3b: {  	s20 =	sor.u32 s17, s18;
	[sflag:s12] =	ssyncadd.s32 $0xFFFFF000  }
0x3c: {  	v4 =	vld [tilespmem:s20+$0x100]  }
0x3d: {  	v5 =	vld [tilespmem:s20+$0x1100]  }
0x3e: {  	s0 =	ssub.f32 s31, s2;
	v6 =	vld [tilespmem:s20+$0x180]  }
0x3f: {  	v7 =	vld [tilespmem:s20+$0x1180]  }
0x40: {  	v2 =	vmul.f32 s0, v2;
	v8 =	vld [tilespmem:s20+$0x200]  }
0x41: {  	v9 =	vld [tilespmem:s20+$0x1200]  }
0x42: {  	v3 =	vsub.f32 $1.000000000e+00, v2;
	v10 =	vld [tilespmem:s20+$0x110]  }
0x43: {  	v11 =	vld [tilespmem:s20+$0x1110]  }
0x44: {  	v12 =	vld [tilespmem:s20+$0x190];
	v4 =	vmul.f32 v4, v2;
	v5 =	vmul.f32 v5, v3  }
0x45: {  	v13 =	vld [tilespmem:s20+$0x1190];
	v6 =	vmul.f32 v6, v2;
	v7 =	vmul.f32 v7, v3  }
0x46: {  	v14 =	vld [tilespmem:s20+$0x120];
	v4 =	vadd.f32 v5, v4;
	v5 =	vmul.f32 v8, v2;
	v8 =	vmul.f32 v9, v3  }
0x47: {  	v15 =	vld [tilespmem:s20+$0x1120];
	v6 =	vadd.f32 v7, v6  }
0x48: {  	v16 =	vld [tilespmem:s20+$0x1A0];
	[tilespmem:s20+$0x100] =	vst v4;
	v4 =	vadd.f32 v8, v5  }
0x49: {  	s19 =	sor.u32 s18, s5;
	v17 =	vld [tilespmem:s20+$0x11A0];
	[tilespmem:s20+$0x180] =	vst v6  }
0x4a: {  	s21 =	sor.u32 $0x180, s19;
	v18 =	vld [tilespmem:s20+$0x220];
	[tilespmem:s20+$0x200] =	vst v4  }
0x4b: {  	v4 =	vld [tilespmem:s21+$0x100]  }
0x4c: {  	v8 =	vld [tilespmem:s21+$0x1100]  }
0x4d: {  	v19 =	vld [tilespmem:s20+$0x1220]  }
0x4e: {  	v20 =	vld [tilespmem:s20+$0x2A0]  }
0x4f: {  	v9 =	vld [tilespmem:s20+$0x210]  }
0x50: {  	v5 =	vld [tilespmem:s20+$0x290]  }
0x51: {  	p0 =	por $0x0, $0x0;
	s0 =	simm.s32 $0x1;
	v6 =	vld [tilespmem:s20+$0x1290];
	v4 =	vmul.f32 v4, v2;
	v8 =	vmul.f32 v8, v3  }
0x52: {  	s0 =	simm.s32 @!p0 $0x0;
	v7 =	vld [tilespmem:s20+$0x1210]  }
0x53: {  	s0 =	sshll.u32 s0, $0x6;
	v21 =	vld [tilespmem:s20+$0x130];
	v12 =	vmul.f32 v12, v2;
	v13 =	vmul.f32 v13, v3;
	v4 =	vadd.f32 v8, v4  }
0x54: {  	s0 =	sadd.s32 $0x0, s0;
	v30 =	vld [tilespmem:s20+$0x2B0]  }
0x55: {  	s22 =	sor.u32 $0x200, s0;
	v12 =	vadd.f32 v13, v12;
	v13 =	vld [tilespmem:s20+$0x1B0];
	[tilespmem:s21+$0x100] =	vst v4;
	v4 =	vmul.f32 v10, v2;
	v10 =	vmul.f32 v11, v3  }
0x56: {  	v5 =	vmul.f32 v5, v2;
	v6 =	vmul.f32 v6, v3;
	v11 =	vld [tilespmem:s22+$0x100]  }
0x57: {  	v9 =	vmul.f32 v9, v2;
	v7 =	vmul.f32 v7, v3;
	v22 =	vld [tilespmem:s22+$0x1100];
	v4 =	vadd.f32 v10, v4  }
0x58: {  	[tilespmem:s20+$0x190] =	vst v12;
	v12 =	vmul.f32 v17, v3;
	v5 =	vadd.f32 v6, v5;
	v6 =	vmul.f32 v16, v2;
	v8 =	vld [tilespmem:s20+$0x12A0]  }
0x59: {  	v10 =	vld [tilespmem:s20+$0x1130];
	[tilespmem:s20+$0x110] =	vst v4;
	v4 =	vadd.f32 v7, v9;
	v7 =	vmul.f32 v14, v2;
	v9 =	vmul.f32 v15, v3  }
0x5a: {  	[tilespmem:s20+$0x290] =	vst v5;
	v5 =	vmul.f32 v18, v2;
	v14 =	vld [tilespmem:s20+$0x11B0]  }
0x5b: {  	v6 =	vadd.f32 v12, v6;
	v12 =	vmul.f32 v19, v3;
	v15 =	vld [tilespmem:s20+$0x230];
	[tilespmem:s20+$0x210] =	vst v4;
	v4 =	vadd.f32 v9, v7  }
0x5c: {  	s19 =	sadd.s32 $0x10, s0;
	v7 =	vld [tilespmem:s20+$0x1230];
	v9 =	vmul.f32 v11, v2;
	v11 =	vmul.f32 v22, v3  }
0x5d: {  	s23 =	sor.u32 $0x200, s19;
	v31 =	vld [tilespmem:s20+$0x12B0];
	v5 =	vadd.f32 v12, v5;
	v8 =	vmul.f32 v8, v3;
	[tilespmem:s20+$0x120] =	vst v4;
	v4 =	vmul.f32 v20, v2  }
0x5e: {  	[tilespmem:s20+$0x1A0] =	vst v6;
	v6 =	vld [tilespmem:s23+$0x100];
	v9 =	vadd.f32 v11, v9  }
0x5f: {  	[tilespmem:s20+$0x220] =	vst v5;
	v11 =	vmul.f32 v21, v2;
	v4 =	vadd.f32 v8, v4;
	v8 =	vmul.f32 v10, v3;
	v10 =	vld [tilespmem:s23+$0x1100]  }
0x60: {  	s24 =	sor.u32 $0x280, s0;
	v5 =	vmul.f32 v13, v2;
	[tilespmem:s22+$0x100] =	vst v9;
	v9 =	vmul.f32 v14, v3  }
0x61: {  	s17 =	sadd.s32 $0x20, s0;
	v12 =	vld [tilespmem:s24+$0x100];
	v7 =	vmul.f32 v7, v3;
	[tilespmem:s20+$0x2A0] =	vst v4;
	v4 =	vadd.f32 v8, v11;
	v8 =	vmul.f32 v15, v2  }
0x62: {  	s25 =	sor.u32 $0x200, s17;
	v14 =	vmul.f32 v31, v3;
	v11 =	vld [tilespmem:s24+$0x1100];
	v5 =	vadd.f32 v9, v5;
	v9 =	vmul.f32 v30, v2  }
0x63: {  	[tilespmem:s20+$0x130] =	vst v4;
	v4 =	vadd.f32 v7, v8;
	v7 =	vld [tilespmem:s25+$0x1100]  }
0x64: {  	v13 =	vld [tilespmem:s25+$0x100];
	[tilespmem:s20+$0x1B0] =	vst v5;
	v5 =	vmul.f32 v6, v2;
	v8 =	vadd.f32 v14, v9;
	v6 =	vmul.f32 v10, v3  }
0x65: {  	s18 =	sadd.s32 $0x30, s0;
	[tilespmem:s20+$0x230] =	vst v4  }
0x66: {  	s26 =	sor.u32 $0x200, s18;
	[tilespmem:s20+$0x2B0] =	vst v8;
	v4 =	vadd.f32 v6, v5  }
0x67: {  	v5 =	vmul.f32 v12, v2;
	v6 =	vmul.f32 v11, v3;
	v8 =	vld [tilespmem:s26+$0x100]  }
0x68: {  	s30 =	sor.u32 $0x280, s19;
	[tilespmem:s23+$0x100] =	vst v4;
	v4 =	vmul.f32 v7, v3;
	v7 =	vld [tilespmem:s26+$0x1100]  }
0x69: {  	v9 =	vmul.f32 v13, v2;
	v5 =	vadd.f32 v6, v5;
	v6 =	vld [tilespmem:s30+$0x100]  }
0x6a: {  	v10 =	vld [tilespmem:s30+$0x1100]  }
0x6b: {  	v4 =	vadd.f32 v4, v9;
	_ =	sdelay $0x1  }
0x6c: {  	s31 =	sor.u32 $0x280, s17;
	v8 =	vmul.f32 v8, v2;
	[tilespmem:s25+$0x100] =	vst v4;
	v7 =	vmul.f32 v7, v3  }
0x6d: {  	s0 =	sor.u32 $0x300, s0;
	[tilespmem:s24+$0x100] =	vst v5;
	v9 =	vld [tilespmem:s31+$0x100]  }
0x6e: {  	v5 =	vld [tilespmem:s0+$0x100];
	v6 =	vmul.f32 v6, v2;
	v10 =	vmul.f32 v10, v3;
	v7 =	vadd.f32 v7, v8  }
0x6f: {  	v4 =	vld [tilespmem:s0+$0x1100]  }
0x70: {  	s21 =	simm.s32 $0x200;
	s22 =	simm.s32 $0x40;
	s24 =	sor.u32 $0x280, s18;
	v11 =	vld [tilespmem:s31+$0x1100];
	v6 =	vadd.f32 v10, v6;
	[tilespmem:s26+$0x100] =	vst v7  }
0x71: {  	s13 =	sand.u32 $0xC00, s21;
	s10 =	sand.u32 $0x40, s22;
	v8 =	vld [tilespmem:s24+$0x100]  }
0x72: {  	s26 =	sor.u32 s10, s13;
	[tilespmem:s30+$0x100] =	vst v6;
	v6 =	vmul.f32 v9, v2;
	v9 =	vld [tilespmem:s24+$0x1100]  }
0x73: {  	v12 =	vld [tilespmem:s26+$0x100]  }
0x74: {  	v13 =	vld [tilespmem:s26+$0x1100]  }
0x75: {  	v14 =	vld [tilespmem:s26+$0x180]  }
0x76: {  	v15 =	vld [tilespmem:s26+$0x1180]  }
0x77: {  	v32 =	vld [tilespmem:s26+$0x200]  }
0x78: {  	v33 =	vld [tilespmem:s26+$0x1200]  }
0x79: {  	v34 =	vld [tilespmem:s26+$0x110]  }
0x7a: {  	v35 =	vld [tilespmem:s26+$0x1110]  }
0x7b: {  	v36 =	vld [tilespmem:s26+$0x190]  }
0x7c: {  	v37 =	vld [tilespmem:s26+$0x1190]  }
0x7d: {  	v39 =	vld [tilespmem:s26+$0x210]  }
0x7e: {  	v23 =	vld [tilespmem:s26+$0x1120]  }
0x7f: {  	v5 =	vmul.f32 v5, v2;
	v4 =	vmul.f32 v4, v3;
	v24 =	vld [tilespmem:s26+$0x1A0]  }
0x80: {  	v25 =	vld [tilespmem:s26+$0x11A0];
	v12 =	vmul.f32 v12, v2;
	v13 =	vmul.f32 v13, v3  }
0x81: {  	v26 =	vld [tilespmem:s26+$0x220];
	v4 =	vadd.f32 v4, v5;
	v14 =	vmul.f32 v14, v2;
	v15 =	vmul.f32 v15, v3  }
0x82: {  	v27 =	vld [tilespmem:s26+$0x1220];
	v38 =	vmul.f32 v33, v3;
	v12 =	vadd.f32 v13, v12;
	v13 =	vmul.f32 v32, v2  }
0x83: {  	v28 =	vld [tilespmem:s26+$0x2A0];
	[tilespmem:s0+$0x100] =	vst v4;
	v14 =	vadd.f32 v15, v14  }
0x84: {  	v42 =	vld [tilespmem:s26+$0x12A0];
	[tilespmem:s26+$0x100] =	vst v12;
	v12 =	vadd.f32 v38, v13  }
0x85: {  	s14 =	sor.u32 s13, s22;
	v29 =	vld [tilespmem:s26+$0x130];
	[tilespmem:s26+$0x180] =	vst v14  }
0x86: {  	v43 =	vld [tilespmem:s26+$0x1130];
	s0 =	sor.u32 $0x180, s14;
	[tilespmem:s26+$0x200] =	vst v12  }
0x87: {  	v40 =	vld [tilespmem:s0+$0x100]  }
0x88: {  	v41 =	vld [tilespmem:s0+$0x1100]  }
0x89: {  	v47 =	vld [tilespmem:s26+$0x1B0]  }
0x8a: {  	v49 =	vld [tilespmem:s26+$0x11B0]  }
0x8b: {  	v15 =	vld [tilespmem:s26+$0x1210]  }
0x8c: {  	v13 =	vld [tilespmem:s26+$0x290]  }
0x8d: {  	s1 =	simm.s32 $0x1;
	p0 =	por !p0, !p0;
	v14 =	vld [tilespmem:s26+$0x1290];
	v16 =	vmul.f32 v40, v2;
	v22 =	vmul.f32 v41, v3  }
0x8e: {  	s1 =	simm.s32 @!p0 $0x0;
	v5 =	vmul.f32 v11, v3;
	v12 =	vld [tilespmem:s26+$0x120]  }
0x8f: {  	s1 =	sshll.u32 s1, $0x6;
	v51 =	vld [tilespmem:s26+$0x230];
	v18 =	vmul.f32 v34, v2;
	v19 =	vmul.f32 v35, v3;
	v16 =	vadd.f32 v22, v16  }
0x90: {  	s1 =	sadd.s32 $0x200, s1;
	v53 =	vld [tilespmem:s26+$0x1230];
	v6 =	vadd.f32 v5, v6;
	v20 =	vmul.f32 v36, v2;
	v21 =	vmul.f32 v37, v3  }
0x91: {  	s30 =	sor.u32 $0x200, s1;
	v55 =	vld [tilespmem:s26+$0x2B0];
	v17 =	vmul.f32 v39, v2;
	v18 =	vadd.f32 v19, v18;
	v15 =	vmul.f32 v15, v3;
	[tilespmem:s0+$0x100] =	vst v16  }
0x92: {  	[tilespmem:s31+$0x100] =	vst v6;
	v20 =	vadd.f32 v21, v20;
	v13 =	vmul.f32 v13, v2;
	v14 =	vmul.f32 v14, v3;
	v44 =	vld [tilespmem:s30+$0x100]  }
0x93: {  	s25 =	sor.u32 $0x300, s19;
	v46 =	vmul.f32 v23, v3;
	[tilespmem:s26+$0x110] =	vst v18;
	v15 =	vadd.f32 v15, v17;
	v12 =	vmul.f32 v12, v2;
	v45 =	vld [tilespmem:s30+$0x1100]  }
0x94: {  	s4 =	sor.u32 s5, s5;
	v10 =	vld [tilespmem:s25+$0x100];
	v48 =	vmul.f32 v25, v3;
	[tilespmem:s26+$0x190] =	vst v20;
	v13 =	vadd.f32 v14, v13;
	v14 =	vmul.f32 v24, v2  }
0x95: {  	s20 =	sor.u32 $0x380, s4;
	v11 =	vld [tilespmem:s25+$0x1100];
	v50 =	vmul.f32 v27, v3;
	[tilespmem:s26+$0x210] =	vst v15;
	v15 =	vmul.f32 v26, v2;
	v12 =	vadd.f32 v46, v12  }
0x96: {  	v4 =	vld [tilespmem:s20+$0x100];
	v52 =	vmul.f32 v42, v3;
	[tilespmem:s26+$0x290] =	vst v13;
	v13 =	vadd.f32 v48, v14;
	v14 =	vmul.f32 v28, v2  }
0x97: {  	s23 =	sor.u32 $0x300, s17;
	v5 =	vld [tilespmem:s20+$0x1100];
	[tilespmem:s26+$0x120] =	vst v12;
	v12 =	vadd.f32 v50, v15  }
0x98: {  	s29 =	sadd.s32 $0x10, s1;
	v6 =	vld [tilespmem:s23+$0x100];
	[tilespmem:s26+$0x1A0] =	vst v13;
	v13 =	vadd.f32 v52, v14;
	v15 =	vmul.f32 v44, v2;
	v54 =	vmul.f32 v45, v3  }
0x99: {  	v8 =	vmul.f32 v8, v2;
	v9 =	vmul.f32 v9, v3;
	s31 =	sor.u32 $0x200, s29;
	v14 =	vld [tilespmem:s26+$0x12B0];
	[tilespmem:s26+$0x220] =	vst v12  }
0x9a: {  	v10 =	vmul.f32 v10, v2;
	v11 =	vmul.f32 v11, v3;
	[tilespmem:s26+$0x2A0] =	vst v13;
	v13 =	vld [tilespmem:s31+$0x1100];
	v12 =	vadd.f32 v54, v15  }
0x9b: {  	v8 =	vadd.f32 v9, v8;
	v9 =	vmul.f32 v29, v2;
	v16 =	vmul.f32 v43, v3;
	v15 =	vld [tilespmem:s31+$0x100]  }
0x9c: {  	s28 =	sor.u32 $0x280, s1;
	v56 =	vmul.f32 v49, v3;
	v7 =	vld [tilespmem:s23+$0x1100];
	v10 =	vadd.f32 v11, v10;
	v11 =	vmul.f32 v47, v2;
	[tilespmem:s30+$0x100] =	vst v12  }
0x9d: {  	v57 =	vmul.f32 v53, v3;
	[tilespmem:s24+$0x100] =	vst v8;
	s0 =	sadd.s32 $0x20, s1;
	v8 =	vadd.f32 v16, v9;
	v9 =	vmul.f32 v51, v2;
	v58 =	vld [tilespmem:s28+$0x100]  }
0x9e: {  	[tilespmem:s25+$0x100] =	vst v10;
	v10 =	vadd.f32 v56, v11;
	v11 =	vmul.f32 v55, v2;
	s14 =	sor.u32 $0x200, s0;
	v14 =	vmul.f32 v14, v3;
	v59 =	vld [tilespmem:s28+$0x1100]  }
0x9f: {  	[tilespmem:s26+$0x130] =	vst v8;
	v8 =	vadd.f32 v57, v9;
	v9 =	vld [tilespmem:s14+$0x1100]  }
0xa0: {  	s3 =	sor.u32 $0x300, s18;
	[tilespmem:s26+$0x1B0] =	vst v10;
	v13 =	vmul.f32 v13, v3;
	v11 =	vadd.f32 v14, v11;
	v12 =	vld [tilespmem:s14+$0x100];
	v10 =	vmul.f32 v15, v2  }
0xa1: {  	s24 =	sadd.s32 $0x30, s1;
	v14 =	vld [tilespmem:s3+$0x100];
	[tilespmem:s26+$0x230] =	vst v8  }
0xa2: {  	s25 =	sor.u32 $0x200, s24;
	v8 =	vld [tilespmem:s3+$0x1100];
	[tilespmem:s26+$0x2B0] =	vst v11;
	v10 =	vadd.f32 v13, v10  }
0xa3: {  	v60 =	vld [tilespmem:s25+$0x100];
	v13 =	vmul.f32 v58, v2;
	v15 =	vmul.f32 v59, v3  }
0xa4: {  	s26 =	sor.u32 $0x280, s29;
	[tilespmem:s31+$0x100] =	vst v10;
	v10 =	vld [tilespmem:s25+$0x1100]  }
0xa5: {  	v9 =	vmul.f32 v9, v3;
	v12 =	vmul.f32 v12, v2;
	v13 =	vadd.f32 v15, v13;
	v15 =	vld [tilespmem:s26+$0x100]  }
0xa6: {  	s13 =	sor.u32 $0x380, s19;
	v61 =	vld [tilespmem:s26+$0x1100]  }
0xa7: {  	v6 =	vmul.f32 v6, v2;
	v7 =	vmul.f32 v7, v3;
	s1 =	sor.u32 $0x300, s1;
	v11 =	vld [tilespmem:s13+$0x100];
	v9 =	vadd.f32 v9, v12;
	[tilespmem:s28+$0x100] =	vst v13  }
0xa8: {  	v13 =	vld [tilespmem:s1+$0x100]  }
0xa9: {  	v6 =	vadd.f32 v7, v6;
	s30 =	sor.u32 $0x280, s0;
	v7 =	vmul.f32 v60, v2;
	[tilespmem:s14+$0x100] =	vst v9;
	v9 =	vld [tilespmem:s1+$0x1100];
	v10 =	vmul.f32 v10, v3  }
0xaa: {  	v62 =	vld [tilespmem:s30+$0x100]  }
0xab: {  	[tilespmem:s23+$0x100] =	vst v6;
	v63 =	vld [tilespmem:s30+$0x1100];
	v6 =	vmul.f32 v15, v2;
	v15 =	vmul.f32 v61, v3;
	v7 =	vadd.f32 v10, v7  }
0xac: {  	s17 =	sor.u32 $0x380, s17;
	v12 =	vld [tilespmem:s13+$0x1100]  }
0xad: {  	v8 =	vmul.f32 v8, v3;
	v10 =	vld [tilespmem:s17+$0x100];
	v6 =	vadd.f32 v15, v6;
	[tilespmem:s25+$0x100] =	vst v7;
	v7 =	vmul.f32 v14, v2  }
0xae: {  	s28 =	sor.u32 $0x280, s24;
	v14 =	vld [tilespmem:s17+$0x1100];
	v13 =	vmul.f32 v13, v2;
	v9 =	vmul.f32 v9, v3  }
0xaf: {  	v4 =	vmul.f32 v4, v2;
	v5 =	vmul.f32 v5, v3;
	v15 =	vld [tilespmem:s28+$0x100];
	[tilespmem:s26+$0x100] =	vst v6;
	v6 =	vadd.f32 v8, v7  }
0xb0: {  	v16 =	vmul.f32 v62, v2;
	v17 =	vmul.f32 v63, v3;
	s25 =	sor.u32 $0x300, s29;
	v8 =	vld [tilespmem:s28+$0x1100];
	v9 =	vadd.f32 v9, v13  }
0xb1: {  	v5 =	vadd.f32 v5, v4;
	v13 =	vld [tilespmem:s25+$0x100];
	[tilespmem:s3+$0x100] =	vst v6;
	v6 =	vmul.f32 v11, v2;
	v11 =	vmul.f32 v12, v3  }
0xb2: {  	s18 =	sor.u32 $0x380, s18;
	s31 =	sor.u32 s21, s22;
	v7 =	vld [tilespmem:s25+$0x1100];
	[tilespmem:s1+$0x100] =	vst v9;
	v9 =	vadd.f32 v17, v16  }
0xb3: {  	[tilespmem:s20+$0x100] =	vst v5;
	v10 =	vmul.f32 v10, v2;
	s1 =	sor.u32 $0x380, s31;
	v4 =	vld [tilespmem:s18+$0x100];
	v14 =	vmul.f32 v14, v3;
	v12 =	vadd.f32 v11, v6  }
0xb4: {  	s19 =	sor.u32 $0x380, s29;
	s20 =	sor.u32 $0x300, s24;
	v5 =	vld [tilespmem:s1+$0x100];
	[tilespmem:s30+$0x100] =	vst v9  }
0xb5: {  	s23 =	simm.s32 $0x80;
	s21 =	simm.s32 $0x4;
	s26 =	sor.u32 $0x300, s0;
	v11 =	vmul.f32 v15, v2;
	v6 =	vld [tilespmem:s1+$0x1100];
	[tilespmem:s13+$0x100] =	vst v12;
	v12 =	vmul.f32 v8, v3;
	v8 =	vadd.f32 v14, v10  }
0xb6: {  	s22 =	simm.s32 $0x400;
	s24 =	sor.u32 $0x380, s24;
	s29 =	sor.u32 $0x380, s0;
	v9 =	vld [tilespmem:s26+$0x100];
	v10 =	vmul.f32 v13, v2  }
.LBB2_2:
0xb7: {  	s2 =	sand.u32 $0x40, s23;
	s0 =	sand.u32 $0xC00, s22;
	v7 =	vmul.f32 v7, v3;
	v13 =	vld [tilespmem:s26+$0x1100];
	v11 =	vadd.f32 v12, v11;
	[tilespmem:s17+$0x100] =	vst v8;
	s17 =	smov.u32 s29  }
0xb8: {  	s30 =	sor.u32 s2, s0;
	v4 =	vmul.f32 v4, v2;
	v8 =	vld [tilespmem:s18+$0x1100]  }
0xb9: {  	v12 =	vld [tilespmem:s30+$0x100];
	v7 =	vadd.f32 v7, v10;
	[tilespmem:s28+$0x100] =	vst v11  }
0xba: {  	v5 =	vmul.f32 v5, v2;
	v10 =	vld [tilespmem:s30+$0x1100];
	v6 =	vmul.f32 v6, v3  }
0xbb: {  	v11 =	vld [tilespmem:s30+$0x180];
	[tilespmem:s25+$0x100] =	vst v7;
	v7 =	vmul.f32 v9, v2  }
0xbc: {  	v9 =	vld [tilespmem:s30+$0x1180];
	v5 =	vadd.f32 v6, v5;
	v6 =	vmul.f32 v13, v3  }
0xbd: {  	v13 =	vld [tilespmem:s30+$0x200];
	v8 =	vmul.f32 v8, v3  }
0xbe: {  	v14 =	vld [tilespmem:s30+$0x1200];
	[tilespmem:s1+$0x100] =	vst v5;
	v5 =	vadd.f32 v6, v7  }
0xbf: {  	v6 =	vld [tilespmem:s30+$0x110];
	v4 =	vadd.f32 v8, v4  }
0xc0: {  	v7 =	vld [tilespmem:s30+$0x1110];
	[tilespmem:s26+$0x100] =	vst v5  }
0xc1: {  	s21 =	sadd.s32 $0x4, s21;
	v8 =	vmul.f32 v10, v3;
	v5 =	vmul.f32 v12, v2;
	v10 =	vld [tilespmem:s30+$0x190];
	[tilespmem:s18+$0x100] =	vst v4;
	s18 =	smov.u32 s24  }
0xc2: {  	p1 =	slt.u32 s21, $0x1C;
	v4 =	vmul.f32 v11, v2;
	v9 =	vmul.f32 v9, v3;
	v11 =	vld [tilespmem:s30+$0x1190]  }
0xc3: {  	v5 =	vadd.f32 v8, v5;
	v8 =	vmul.f32 v13, v2;
	v12 =	vmul.f32 v14, v3;
	v13 =	vld [tilespmem:s30+$0x210]  }
0xc4: {  	v4 =	vadd.f32 v9, v4;
	v6 =	vmul.f32 v6, v2;
	v9 =	vld [tilespmem:s30+$0x1210]  }
0xc5: {  	[tilespmem:s30+$0x100] =	vst v5;
	v5 =	vadd.f32 v12, v8;
	v7 =	vmul.f32 v7, v3;
	v8 =	vld [tilespmem:s30+$0x290]  }
0xc6: {  	s0 =	sor.u32 s0, s23;
	[tilespmem:s30+$0x180] =	vst v4;
	v4 =	vmul.f32 v10, v2;
	v10 =	vld [tilespmem:s30+$0x1290]  }
0xc7: {  	s0 =	sor.u32 $0x180, s0;
	[tilespmem:s30+$0x200] =	vst v5;
	v5 =	vadd.f32 v7, v6;
	v6 =	vmul.f32 v11, v3;
	v7 =	vld [tilespmem:s30+$0x120]  }
0xc8: {  	v11 =	vld [tilespmem:s0+$0x100];
	v12 =	vmul.f32 v13, v2  }
0xc9: {  	v13 =	vld [tilespmem:s0+$0x1100];
	[tilespmem:s30+$0x110] =	vst v5;
	v4 =	vadd.f32 v6, v4;
	v5 =	vmul.f32 v9, v3  }
0xca: {  	v6 =	vmul.f32 v8, v2;
	v8 =	vld [tilespmem:s30+$0x1120]  }
0xcb: {  	[tilespmem:s30+$0x190] =	vst v4;
	v4 =	vadd.f32 v5, v12;
	v5 =	vmul.f32 v10, v3;
	v9 =	vld [tilespmem:s30+$0x1A0]  }
0xcc: {  	v7 =	vmul.f32 v7, v2;
	v10 =	vld [tilespmem:s30+$0x11A0]  }
0xcd: {  	[tilespmem:s30+$0x210] =	vst v4;
	v4 =	vadd.f32 v5, v6;
	v5 =	vld [tilespmem:s30+$0x220]  }
0xce: {  	p0 =	por !p0, !p0;
	s1 =	simm.s32 $0x1;
	v6 =	vmul.f32 v11, v2;
	v11 =	vmul.f32 v13, v3;
	v12 =	vld [tilespmem:s30+$0x1220]  }
0xcf: {  	s1 =	simm.s32 @!p0 $0x0;
	[tilespmem:s30+$0x290] =	vst v4;
	v4 =	vmul.f32 v8, v3;
	v8 =	vld [tilespmem:s30+$0x2A0]  }
0xd0: {  	s1 =	sshll.u32 s1, $0x6;
	v6 =	vadd.f32 v11, v6;
	v9 =	vmul.f32 v9, v2;
	v11 =	vld [tilespmem:s30+$0x12A0]  }
0xd1: {  	s2 =	sadd.s32 s1, s22;
	v4 =	vadd.f32 v4, v7;
	v7 =	vmul.f32 v10, v3;
	v10 =	vld [tilespmem:s30+$0x130]  }
0xd2: {  	s13 =	sor.u32 $0x200, s2;
	s4 =	sadd.s32 $0x10, s2;
	s14 =	sadd.s32 $0x20, s2;
	[tilespmem:s0+$0x100] =	vst v6;
	v5 =	vmul.f32 v5, v2;
	v6 =	vld [tilespmem:s30+$0x1130]  }
0xd3: {  	s24 =	sadd.s32 $0x30, s2;
	s3 =	sor.u32 $0x200, s4;
	s10 =	sor.u32 $0x200, s14;
	v13 =	vld [tilespmem:s13+$0x100];
	[tilespmem:s30+$0x120] =	vst v4;
	v4 =	vadd.f32 v7, v9;
	v7 =	vmul.f32 v12, v3  }
0xd4: {  	s31 =	sor.u32 $0x280, s14;
	s1 =	sor.u32 $0x200, s24;
	s0 =	sor.u32 $0x280, s4;
	v9 =	vld [tilespmem:s13+$0x1100];
	v8 =	vmul.f32 v8, v2  }
0xd5: {  	s25 =	sor.u32 $0x300, s4;
	s26 =	sor.u32 $0x300, s14;
	s28 =	sor.u32 $0x280, s24;
	[tilespmem:s30+$0x1A0] =	vst v4;
	v4 =	vadd.f32 v7, v5;
	v5 =	vmul.f32 v11, v3;
	v7 =	vld [tilespmem:s30+$0x1B0]  }
0xd6: {  	s29 =	sor.u32 $0x380, s14;
	s14 =	sor.u32 $0x300, s24;
	s4 =	sor.u32 $0x380, s4;
	v10 =	vmul.f32 v10, v2;
	v11 =	vld [tilespmem:s30+$0x11B0]  }
0xd7: {  	s24 =	sor.u32 $0x380, s24;
	[tilespmem:s30+$0x220] =	vst v4;
	v4 =	vadd.f32 v5, v8;
	v5 =	vmul.f32 v6, v3;
	v6 =	vld [tilespmem:s30+$0x230]  }
0xd8: {  	v8 =	vld [tilespmem:s30+$0x1230]  }
0xd9: {  	v12 =	vmul.f32 v13, v2;
	v9 =	vmul.f32 v9, v3;
	[tilespmem:s30+$0x2A0] =	vst v4;
	v4 =	vadd.f32 v5, v10;
	v5 =	vld [tilespmem:s30+$0x2B0]  }
0xda: {  	v7 =	vmul.f32 v7, v2;
	v10 =	vld [tilespmem:s30+$0x12B0]  }
0xdb: {  	v9 =	vadd.f32 v9, v12;
	v12 =	vld [tilespmem:s3+$0x100];
	[tilespmem:s30+$0x130] =	vst v4;
	v4 =	vmul.f32 v11, v3  }
0xdc: {  	v11 =	vld [tilespmem:s3+$0x1100];
	v6 =	vmul.f32 v6, v2  }
0xdd: {  	[tilespmem:s13+$0x100] =	vst v9;
	s13 =	sor.u32 $0x280, s2;
	v9 =	vld [tilespmem:s10+$0x100];
	v4 =	vadd.f32 v4, v7;
	v7 =	vmul.f32 v8, v3  }
0xde: {  	v8 =	vld [tilespmem:s13+$0x100];
	v5 =	vmul.f32 v5, v2  }
0xdf: {  	v13 =	vld [tilespmem:s13+$0x1100];
	[tilespmem:s30+$0x1B0] =	vst v4;
	v4 =	vadd.f32 v7, v6;
	v6 =	vmul.f32 v10, v3  }
0xe0: {  	v7 =	vmul.f32 v12, v2;
	v10 =	vld [tilespmem:s10+$0x1100]  }
0xe1: {  	v11 =	vmul.f32 v11, v3;
	[tilespmem:s30+$0x230] =	vst v4;
	v4 =	vadd.f32 v6, v5;
	v5 =	vld [tilespmem:s20+$0x100]  }
0xe2: {  	v6 =	vmul.f32 v9, v2;
	v9 =	vld [tilespmem:s20+$0x1100]  }
0xe3: {  	v7 =	vadd.f32 v11, v7;
	[tilespmem:s30+$0x2B0] =	vst v4;
	v4 =	vld [tilespmem:s19+$0x100]  }
0xe4: {  	v8 =	vmul.f32 v8, v2;
	v11 =	vmul.f32 v13, v3;
	v12 =	vld [tilespmem:s1+$0x100]  }
0xe5: {  	[tilespmem:s3+$0x100] =	vst v7;
	v7 =	vmul.f32 v10, v3;
	v10 =	vld [tilespmem:s1+$0x1100]  }
0xe6: {  	v8 =	vadd.f32 v11, v8;
	v11 =	vld [tilespmem:s0+$0x100];
	v5 =	vmul.f32 v5, v2  }
0xe7: {  	v13 =	vld [tilespmem:s0+$0x1100];
	v6 =	vadd.f32 v7, v6;
	v7 =	vmul.f32 v9, v3  }
0xe8: {  	s2 =	sor.u32 $0x300, s2;
	[tilespmem:s13+$0x100] =	vst v8;
	v4 =	vmul.f32 v4, v2;
	v8 =	vld [tilespmem:s19+$0x1100]  }
0xe9: {  	v9 =	vld [tilespmem:s2+$0x100];
	[tilespmem:s10+$0x100] =	vst v6;
	v6 =	vmul.f32 v12, v2;
	v5 =	vadd.f32 v7, v5  }
0xea: {  	v7 =	vld [tilespmem:s2+$0x1100];
	v10 =	vmul.f32 v10, v3  }
0xeb: {  	v11 =	vmul.f32 v11, v2;
	v12 =	vld [tilespmem:s31+$0x100];
	[tilespmem:s20+$0x100] =	vst v5;
	s20 =	smov.u32 s14  }
0xec: {  	v5 =	vmul.f32 v13, v3;
	v13 =	vld [tilespmem:s31+$0x1100];
	v6 =	vadd.f32 v10, v6  }
0xed: {  	v8 =	vmul.f32 v8, v3;
	v10 =	vld [tilespmem:s17+$0x100]  }
0xee: {  	v5 =	vadd.f32 v5, v11;
	[tilespmem:s1+$0x100] =	vst v6;
	v6 =	vld [tilespmem:s17+$0x1100]  }
0xef: {  	v9 =	vmul.f32 v9, v2;
	v7 =	vmul.f32 v7, v3;
	v11 =	vld [tilespmem:s28+$0x100];
	v4 =	vadd.f32 v8, v4  }
0xf0: {  	[tilespmem:s0+$0x100] =	vst v5;
	v5 =	vmul.f32 v12, v2;
	v8 =	vld [tilespmem:s28+$0x1100]  }
0xf1: {  	v9 =	vadd.f32 v7, v9;
	v14 =	vld [tilespmem:s25+$0x100];
	v12 =	vmul.f32 v13, v3;
	[tilespmem:s19+$0x100] =	vst v4;
	s19 =	smov.u32 s4  }
.Ltmp0:
0xf2: {  	s0 =	sor.u32 s22, s23;
	v7 =	vld [tilespmem:s25+$0x1100];
	v10 =	vmul.f32 v10, v2;
	(pc) =	sbr.rel @p1 .LBB2_2-.Ltmp0, $4  }
0xf3: {  	s1 =	sor.u32 $0x380, s0;
	[tilespmem:s2+$0x100] =	vst v9;
	v9 =	vadd.f32 v12, v5;
	v13 =	vmul.f32 v6, v3;
	v4 =	vld [tilespmem:s18+$0x100]  }
0xf4: {  	v5 =	vld [tilespmem:s1+$0x100];
	v11 =	vmul.f32 v11, v2  }
0xf5: {  	v6 =	vld [tilespmem:s1+$0x1100];
	[tilespmem:s31+$0x100] =	vst v9;
	v12 =	vmul.f32 v8, v3;
	v8 =	vadd.f32 v13, v10  }
0xf6: {  	s22 =	sadd.s32 $0x200, s22;
	s23 =	sadd.s32 $0x40, s23;
	v10 =	vmul.f32 v14, v2;
	v9 =	vld [tilespmem:s26+$0x100]  }
0xf7: {  	v11 =	vadd.f32 v12, v11;
	_ =	sdelay $0x1  }
0xf8: {  	v49 =	vld [tilespmem:s26+$0x1100];
	[tilespmem:s28+$0x100] =	vst v11  }
0xf9: {  	v11 =	vld [tilespmem:s20+$0x100]  }
0xfa: {  	v13 =	vld [tilespmem:s20+$0x1100]  }
0xfb: {  	v7 =	vmul.f32 v7, v3;
	_ =	sdelay $0x1  }
0xfc: {  	v7 =	vadd.f32 v7, v10;
	v9 =	vmul.f32 v9, v2;
	v50 =	vmul.f32 v49, v3;
	_ =	sdelay $0x1  }
0xfd: {  	v51 =	vld [tilespmem:s18+$0x1100];
	[tilespmem:s25+$0x100] =	vst v7;
	v52 =	vadd.f32 v50, v9;
	v53 =	vmul.f32 v11, v2;
	v54 =	vmul.f32 v13, v3  }
0xfe: {  	v55 =	vld [tilespmem:s19+$0x100]  }
0xff: {  	v56 =	vld [tilespmem:s19+$0x1100];
	[tilespmem:s26+$0x100] =	vst v52;
	v9 =	vadd.f32 v54, v53  }
0x100: {  	v57 =	vld [tilespmem:s29+$0x100]  }
0x101: {  	v58 =	vld [tilespmem:s29+$0x1100];
	[tilespmem:s20+$0x100] =	vst v9  }
0x102: {  	v59 =	vld [tilespmem:s24+$0x100]  }
0x103: {  	v14 =	vld [tilespmem:s24+$0x1100]  }
0x104: {  	v5 =	vmul.f32 v5, v2;
	v6 =	vmul.f32 v6, v3  }
0x105: {  	v4 =	vmul.f32 v4, v2;
	v12 =	vmul.f32 v51, v3  }
0x106: {  	v5 =	vadd.f32 v6, v5;
	v60 =	vmul.f32 v55, v2;
	v7 =	vmul.f32 v56, v3  }
0x107: {  	[tilespmem:s17+$0x100] =	vst v8;
	v4 =	vadd.f32 v12, v4;
	v61 =	vmul.f32 v57, v2;
	v9 =	vmul.f32 v58, v3  }
0x108: {  	[tilespmem:s1+$0x100] =	vst v5;
	v62 =	vadd.f32 v7, v60;
	v2 =	vmul.f32 v59, v2;
	v3 =	vmul.f32 v14, v3  }
0x109: {  	[tilespmem:s18+$0x100] =	vst v4;
	v63 =	vadd.f32 v9, v61  }
0x10a: {  	s16 =	sadd.s32 $0x1, s16;
	[tilespmem:s19+$0x100] =	vst v62;
	v2 =	vadd.f32 v3, v2  }
0x10b: {  	p0 =	sne.s32 s16, s9;
	[tilespmem:s29+$0x100] =	vst v63  }
.Ltmp1:
0x10c: {  	s10 =	simm.s32 $0x100;
	[tilespmem:s24+$0x100] =	vst v2;
	(pc) =	sbr.rel @p0 .LBB2_1-.Ltmp1, $4  }
0x10d: {  	[hbm4b:s8+s5] =	stream.linear.scatter [tilespmem:s10], [sflag:$0x3], $0x1000, $0x38;
	[tilespmem:$0x2100] =	vst v63  }
0x10e: {  	_ =	swait.ge [sflag:s15], $0x1000  }
0x10f: {  	[sflag:s15] =	ssyncset.done $0x0  }
0x110: {  	[sflag:s15] =	ssyncadd.s32 $0xFFFFF000  }
0x111: {  	_ =	sfence.sel $0x180000  }
0x112: {  	[bflag:$0x0] =	sbarrier.arrive $0xFFFF  }
0x113: {  	_ =	strace $0x90000047  }
0x114: {  	s0 =	stileid.u32;
	[bflag:$0x2] =	sbarrier.arrive $0xFFFF  }
0x115: {  	p0 =	sne.s32 s0, $0x0;
	s0 =	rddreg [dreg:$0x4]  }
0x116: {  	s0 =	sadd.s32 @!p0 $0x100000, s0  }
0x117: {  	[sflag:s0] =	ssyncadd.tile.s32 @!p0 $0x1;
	_ =	shalt  }
.Lfunc_end2:
_tile_overlayer_lowered:
.L_overlay_start_2:
0x118: {  	(tag) =	ssettag $0x2  }
0x119: {  	s0 =	rddreg [dreg:$0x0];
	s2 =	stileid.u32  }
0x11a: {  	s1 =	rddreg [dreg:$0x1];
	p0 =	sne.s32 s2, $0x0  }
0x11b: {  	s3 =	rddreg [dreg:$0x2];
	[bflag:$0x3] =	sbarrier.arrive $0xFFFF;
	s2 =	simm.s32 @!p0 $0x1C03  }
0x11c: {  	[timem:s3], [sflag:s2] =	dma.local @!p0 [hbm:s0], s1  }
0x11d: {  	s0 =	simm.s32 @!p0 $0x3  }
0x11e: {  	_ =	swait.ge @!p0 [sflag:s0], s1  }
0x11f: {  	s1 =	ssub.s32 @!p0 $0x0, s1;
	[sflag:s0] =	ssyncset.done @!p0 $0x0  }
0x120: {  	[sflag:s0] =	ssyncadd.s32 @!p0 s1  }
0x121: {  	[bflag:$0x3] =	sbarrier.arrive $0xFFFF  }
0x122: {  	_ =	shalt  }

</sc_bundles>
